<compile_context>
chip_gen: v7x
topology: tpu7x:2x2x1
jax: 0.10.2.dev20260603
libtpu: 0.0.44.dev20260713+nightly
codegen_flags: <defaults>
</compile_context>

<pallas_src>
import functools

import jax
import jax.numpy as jnp
from jax import lax
from jax.experimental import pallas as pl
from jax.experimental.pallas import tpu as pltpu
from jax.experimental.pallas import tpu_sc as plsc

_G = 256
_N = 100000
_D = 128
_NC = 2
_NS = 16
_NW = _NC * _NS

_TC_BLK = 2048
_BAND = 64
_N_TC = 24 * _TC_BLK
_N_SC = _N - _N_TC

_BLK = 128
_SC_NBLKS = (_N_SC + _BLK - 1) // _BLK
_BASE_BLKS = _SC_NBLKS // _NW
_EXTRA = _SC_NBLKS - _BASE_BLKS * _NW
_MAX_BLKS = _BASE_BLKS + (1 if _EXTRA else 0)
_ZROWS = _G // _NS


def _sc_segment_sum(x, batch):
    mesh = plsc.VectorSubcoreMesh(core_axis_name="c", subcore_axis_name="s")

    @functools.partial(
        pl.kernel,
        out_type=jax.ShapeDtypeStruct((_NC, _G, _D), jnp.float32),
        mesh=mesh,
        scratch_types=[
            pltpu.VMEM((2, _BLK, _D), jnp.float32),
            pltpu.VMEM((2, _BLK), jnp.int32),
            pltpu.VMEM((_ZROWS, _D), jnp.float32),
            pltpu.VMEM_SHARED((_G + 8, _D), jnp.float32),
            pltpu.SemaphoreType.DMA((2,)),
            pltpu.SemaphoreType.DMA((2,)),
            pltpu.SemaphoreType.DMA((2,)),
        ],
    )
    def seg_sum(x_hbm, b_hbm, out_hbm, xbuf, idx2, zbuf, acc, gsem, isem,
                ssem):
        cid = lax.axis_index("c")
        sid = lax.axis_index("s")
        wid = sid * _NC + cid

        zeros = jnp.zeros((16,), jnp.float32)

        def zrow(j, _):
            for i in range(_D // 16):
                zbuf[j, pl.ds(i * 16, 16)] = zeros
            return 0

        lax.fori_loop(0, _ZROWS, zrow, 0)

        base = _BASE_BLKS * wid + jnp.minimum(wid, _EXTRA)
        nblk = jnp.where(wid < _EXTRA, _BASE_BLKS + 1, _BASE_BLKS)

        def xstart(b):
            return jnp.minimum(_N_TC + (base + b) * _BLK, _N - _BLK)

        def start_io(b, slot):
            pltpu.async_copy(x_hbm.at[pl.ds(xstart(b), _BLK)],
                             xbuf.at[slot], gsem.at[slot])
            pltpu.async_copy(b_hbm.at[pl.ds(xstart(b), _BLK)],
                             idx2.at[slot], isem.at[slot])

        def wait_io(b, slot):
            pltpu.make_async_copy(x_hbm.at[pl.ds(xstart(b), _BLK)],
                                  xbuf.at[slot], gsem.at[slot]).wait()
            pltpu.make_async_copy(b_hbm.at[pl.ds(xstart(b), _BLK)],
                                  idx2.at[slot], isem.at[slot]).wait()

        start_io(0, 0)
        pltpu.sync_copy(zbuf, acc.at[pl.ds(sid * _ZROWS, _ZROWS)])
        plsc.subcore_barrier()

        def body(b, _):
            slot = lax.rem(b, 2)

            @pl.when(b < nblk)
            def _process():
                gstart = _N_TC + (base + b) * _BLK
                xs = xstart(b)
                wait_io(b, slot)

                @pl.when(xs != gstart)
                def _fixup():
                    for i in range(_BLK // 16):
                        r = xs + i * 16 + lax.iota(jnp.int32, 16)
                        v = idx2[slot, pl.ds(i * 16, 16)]
                        idx2[slot, pl.ds(i * 16, 16)] = (
                            jnp.where(r >= gstart, v, _G))

                @pl.when(b + 1 < nblk)
                def _prefetch():
                    nslot = lax.rem(b + 1, 2)

                    @pl.when(b >= 1)
                    def _drain_prev_scatter():
                        pltpu.make_async_copy(
                            xbuf.at[nslot], acc.at[idx2.at[nslot]],
                            ssem.at[nslot]).wait()

                    start_io(b + 1, nslot)

                pltpu.async_copy(xbuf.at[slot], acc.at[idx2.at[slot]],
                                 ssem.at[slot], add=True)

            return 0

        lax.fori_loop(0, _MAX_BLKS, body, 0)

        for s in range(2):
            pltpu.make_async_copy(xbuf.at[s], acc.at[idx2.at[s]],
                                  ssem.at[s]).wait()

        plsc.subcore_barrier()

        @pl.when(sid == 0)
        def _readout():
            pltpu.sync_copy(acc.at[pl.ds(0, _G)], out_hbm.at[cid])

    return seg_sum(x, batch)


def _tc_segment_sum(x, batch):

    def seg(b_ref, x_ref, o_ref):
        i = pl.program_id(0)

        @pl.when(i == 0)
        def _init():
            o_ref[...] = jnp.zeros_like(o_ref)

        lo = b_ref[0, 0]
        hi = b_ref[0, _TC_BLK - 1]
        xb = x_ref[...].astype(jnp.bfloat16)
        for k in range(_G // _BAND):
            @pl.when(jnp.logical_and(hi >= k * _BAND,
                                     lo < (k + 1) * _BAND))
            def _band(k=k):
                gids = (lax.broadcasted_iota(jnp.int32, (_BAND, _TC_BLK), 0)
                        + k * _BAND)
                onehot = (b_ref[...] == gids).astype(jnp.bfloat16)
                o_ref[pl.ds(k * _BAND, _BAND)] += jnp.dot(
                    onehot, xb, preferred_element_type=jnp.float32)

    return pl.pallas_call(
        seg,
        grid=(_N_TC // _TC_BLK,),
        in_specs=[
            pl.BlockSpec((1, _TC_BLK), lambda i: (0, i)),
            pl.BlockSpec((_TC_BLK, _D), lambda i: (i, 0)),
        ],
        out_specs=pl.BlockSpec((_G, _D), lambda i: (0, 0)),
        out_shape=jax.ShapeDtypeStruct((_G, _D), jnp.float32),
        compiler_params=pltpu.CompilerParams(
            dimension_semantics=("arbitrary",)),
    )(batch.reshape(1, _N), x)


def _tc_mlp(sc_partials, tc_partial, W1, b1, W2p, b2):
    def mlp(p_ref, t_ref, w1_ref, b1_ref, w2_ref, b2_ref, o_ref):
        emb = p_ref[0] + p_ref[1] + t_ref[...]
        h = jnp.maximum(
            jnp.dot(emb, w1_ref[...], preferred_element_type=jnp.float32)
            + b1_ref[...], 0.0)
        o_ref[...] = (
            jnp.dot(h, w2_ref[...], preferred_element_type=jnp.float32)
            + b2_ref[...])

    return pl.pallas_call(
        mlp,
        out_shape=jax.ShapeDtypeStruct((_G, _D), jnp.float32),
    )(sc_partials, tc_partial, W1, b1, W2p, b2)


def kernel(x, batch, y, W1, b1, W2, b2):
    batch = batch.astype(jnp.int32)
    tc_partial = _tc_segment_sum(x, batch)
    sc_partials = _sc_segment_sum(x, batch)
    W2p = jnp.pad(W2, ((0, 0), (0, _D - W2.shape[1])))
    b2p = jnp.pad(b2, (0, _D - b2.shape[0]))
    out = _tc_mlp(sc_partials, tc_partial, W1, b1.reshape(1, _D),
                  W2p, b2p.reshape(1, _D))
    pred = out[:, : W2.shape[1]]
    return (pred, y)

# --- scband reference (transcript-rebuilt; emitter-appended) ---
"""Pipeline reference for scband-coptgraph-head-34961033790087 (READ-ONLY COPY).

The authoritative reference and input builder live on the scoring server;
editing this copy changes nothing except your own understanding.
"""

import jax, jax.numpy as jnp
import numpy as np

NUM_GRAPHS = 256
N_NODES = 100000
DIM_IN = 128
DIM_HID = 128
DIM_OUT = 1


def setup_inputs(seed: int = 0) -> dict:
    key = jax.random.key(seed)
    k1, k2, k3, k4, k5 = jax.random.split(key, 5)
    x = jax.random.normal(k1, (N_NODES, DIM_IN), dtype=jnp.float32)
    batch = jnp.sort(jax.random.randint(k2, (N_NODES,), 0, NUM_GRAPHS))
    y = jax.random.normal(k3, (NUM_GRAPHS, DIM_OUT), dtype=jnp.float32)
    W1 = jax.random.normal(k4, (DIM_IN, DIM_HID), dtype=jnp.float32) * 0.05
    b1 = jnp.zeros((DIM_HID,), dtype=jnp.float32)
    W2 = jax.random.normal(k5, (DIM_HID, DIM_OUT), dtype=jnp.float32) * 0.05
    b2 = jnp.zeros((DIM_OUT,), dtype=jnp.float32)
    return {"x": x, "batch": batch, "y": y, "W1": W1, "b1": b1, "W2": W2, "b2": b2}


def reference(x, batch, y, W1, b1, W2, b2):
    # global_add_pool: scatter-add node features into per-graph embeddings
    graph_emb = jax.ops.segment_sum(x, batch, num_segments=NUM_GRAPHS)
    # post-message-passing MLP (layers_post_mp=2, batch_norm=False, eval-mode dropout=identity)
    h = jnp.maximum(graph_emb @ W1 + b1, 0.0)
    pred = h @ W2 + b2
    # last_act=None, minmax=False -> last_norm=None; _apply_index returns (batch.x, batch.y)
    return (pred, y)

if __name__ == "__main__":
    import jax
    _d = setup_inputs()
    print(jax.jit(kernel)(*tuple(_d.values())))

</pallas_src>

<mosaic_0001>
#map = affine_map<(d0, d1) -> (0, 0)>
#map1 = affine_map<(d0, d1) -> (0)>
#map2 = affine_map<(d0, d1) -> (0, 0, 0)>
module attributes {stable_mosaic.version = 14 : i64} {
  func.func @seg_sum(%arg0: i32, %arg1: i32, %arg2: memref<100000x128xf32, #tpu.memory_space<hbm>>, %arg3: memref<100000xi32, #tpu.memory_space<hbm>>, %arg4: memref<2x256x128xf32, #tpu.memory_space<hbm>>, %arg5: memref<2x128x128xf32, #tpu.memory_space<vmem>>, %arg6: memref<2x128xi32, #tpu.memory_space<vmem>>, %arg7: memref<16x128xf32, #tpu.memory_space<vmem>>, %arg8: memref<264x128xf32, #tpu.memory_space<vmem_shared>>, %arg9: memref<2x!tpu.dma_semaphore, #tpu.memory_space<semaphore_mem>>, %arg10: memref<2x!tpu.dma_semaphore, #tpu.memory_space<semaphore_mem>>, %arg11: memref<2x!tpu.dma_semaphore, #tpu.memory_space<semaphore_mem>>) attributes {dimension_semantics = [#tpu.dimension_semantics<core_parallel>, #tpu.dimension_semantics<subcore_parallel>], iteration_bounds = array<i64: 2, 16>, scalar_prefetch = 0 : i64, scratch_operands = 7 : i64, tpu.core_type = #tpu.core_type<sc_vector_subcore>, window_params = [{transform_indices = #map}, {transform_indices = #map1}, {transform_indices = #map2}]} {
    %mul3A = arith.constant 2 : i32
    %mul3A_0 = arith.muli %arg1, %mul3A : i32
    %add3A = arith.addi %mul3A_0, %arg0 : i32
    %broadcast_in_dim3A = arith.constant 0.000000e+00 : f32
    %broadcast_in_dim3A_1 = vector.broadcast %broadcast_in_dim3A : f32 to vector<16xf32>
    %scan3A = arith.constant 0 : i32
    %scan3A_2 = arith.constant 0 : i32
    %scan3A_3 = arith.constant 16 : i32
    %scan3A_4 = arith.addi %scan3A_2, %scan3A_3 : i32
    %scan3A_5 = arith.constant 1 : i32
    %scan3A_6 = scf.for %scan3A_98 = %scan3A_2 to %scan3A_4 step %scan3A_5 iter_args(%scan3A_99 = %scan3A) -> (i32)  : i32 {
      %swap3A = arith.index_cast %scan3A_98 : i32 to index
      %swap3A_100 = arith.constant 0 : index
      %swap3A_101 = tpu.vector_load %arg7[%swap3A, %swap3A_100] {strides = array<i32>} : memref<16x128xf32, #tpu.memory_space<vmem>>, vector<1x16xf32>,
      %swap3A_102 = vector.shape_cast %swap3A_101 : vector<1x16xf32> to vector<16xf32>
      %swap3A_103 = vector.shape_cast %broadcast_in_dim3A_1 : vector<16xf32> to vector<1x16xf32>
      tpu.vector_store %arg7[%swap3A, %swap3A_100], %swap3A_103 {strides = array<i32>} : memref<16x128xf32, #tpu.memory_space<vmem>>, vector<1x16xf32>,
      %swap3A_104 = arith.index_cast %scan3A_98 : i32 to index
      %swap3A_105 = arith.constant 16 : index
      %swap3A_106 = tpu.vector_load %arg7[%swap3A_104, %swap3A_105] {strides = array<i32>} : memref<16x128xf32, #tpu.memory_space<vmem>>, vector<1x16xf32>,
      %swap3A_107 = vector.shape_cast %swap3A_106 : vector<1x16xf32> to vector<16xf32>
      %swap3A_108 = vector.shape_cast %broadcast_in_dim3A_1 : vector<16xf32> to vector<1x16xf32>
      tpu.vector_store %arg7[%swap3A_104, %swap3A_105], %swap3A_108 {strides = array<i32>} : memref<16x128xf32, #tpu.memory_space<vmem>>, vector<1x16xf32>,
      %swap3A_109 = arith.index_cast %scan3A_98 : i32 to index
      %swap3A_110 = arith.constant 32 : index
      %swap3A_111 = tpu.vector_load %arg7[%swap3A_109, %swap3A_110] {strides = array<i32>} : memref<16x128xf32, #tpu.memory_space<vmem>>, vector<1x16xf32>,
      %swap3A_112 = vector.shape_cast %swap3A_111 : vector<1x16xf32> to vector<16xf32>
      %swap3A_113 = vector.shape_cast %broadcast_in_dim3A_1 : vector<16xf32> to vector<1x16xf32>
      tpu.vector_store %arg7[%swap3A_109, %swap3A_110], %swap3A_113 {strides = array<i32>} : memref<16x128xf32, #tpu.memory_space<vmem>>, vector<1x16xf32>,
      %swap3A_114 = arith.index_cast %scan3A_98 : i32 to index
      %swap3A_115 = arith.constant 48 : index
      %swap3A_116 = tpu.vector_load %arg7[%swap3A_114, %swap3A_115] {strides = array<i32>} : memref<16x128xf32, #tpu.memory_space<vmem>>, vector<1x16xf32>,
      %swap3A_117 = vector.shape_cast %swap3A_116 : vector<1x16xf32> to vector<16xf32>
      %swap3A_118 = vector.shape_cast %broadcast_in_dim3A_1 : vector<16xf32> to vector<1x16xf32>
      tpu.vector_store %arg7[%swap3A_114, %swap3A_115], %swap3A_118 {strides = array<i32>} : memref<16x128xf32, #tpu.memory_space<vmem>>, vector<1x16xf32>,
      %swap3A_119 = arith.index_cast %scan3A_98 : i32 to index
      %swap3A_120 = arith.constant 64 : index
      %swap3A_121 = tpu.vector_load %arg7[%swap3A_119, %swap3A_120] {strides = array<i32>} : memref<16x128xf32, #tpu.memory_space<vmem>>, vector<1x16xf32>,
      %swap3A_122 = vector.shape_cast %swap3A_121 : vector<1x16xf32> to vector<16xf32>
      %swap3A_123 = vector.shape_cast %broadcast_in_dim3A_1 : vector<16xf32> to vector<1x16xf32>
      tpu.vector_store %arg7[%swap3A_119, %swap3A_120], %swap3A_123 {strides = array<i32>} : memref<16x128xf32, #tpu.memory_space<vmem>>, vector<1x16xf32>,
      %swap3A_124 = arith.index_cast %scan3A_98 : i32 to index
      %swap3A_125 = arith.constant 80 : index
      %swap3A_126 = tpu.vector_load %arg7[%swap3A_124, %swap3A_125] {strides = array<i32>} : memref<16x128xf32, #tpu.memory_space<vmem>>, vector<1x16xf32>,
      %swap3A_127 = vector.shape_cast %swap3A_126 : vector<1x16xf32> to vector<16xf32>
      %swap3A_128 = vector.shape_cast %broadcast_in_dim3A_1 : vector<16xf32> to vector<1x16xf32>
      tpu.vector_store %arg7[%swap3A_124, %swap3A_125], %swap3A_128 {strides = array<i32>} : memref<16x128xf32, #tpu.memory_space<vmem>>, vector<1x16xf32>,
      %swap3A_129 = arith.index_cast %scan3A_98 : i32 to index
      %swap3A_130 = arith.constant 96 : index
      %swap3A_131 = tpu.vector_load %arg7[%swap3A_129, %swap3A_130] {strides = array<i32>} : memref<16x128xf32, #tpu.memory_space<vmem>>, vector<1x16xf32>,
      %swap3A_132 = vector.shape_cast %swap3A_131 : vector<1x16xf32> to vector<16xf32>
      %swap3A_133 = vector.shape_cast %broadcast_in_dim3A_1 : vector<16xf32> to vector<1x16xf32>
      tpu.vector_store %arg7[%swap3A_129, %swap3A_130], %swap3A_133 {strides = array<i32>} : memref<16x128xf32, #tpu.memory_space<vmem>>, vector<1x16xf32>,
      %swap3A_134 = arith.index_cast %scan3A_98 : i32 to index
      %swap3A_135 = arith.constant 112 : index
      %swap3A_136 = tpu.vector_load %arg7[%swap3A_134, %swap3A_135] {strides = array<i32>} : memref<16x128xf32, #tpu.memory_space<vmem>>, vector<1x16xf32>,
      %swap3A_137 = vector.shape_cast %swap3A_136 : vector<1x16xf32> to vector<16xf32>
      %swap3A_138 = vector.shape_cast %broadcast_in_dim3A_1 : vector<16xf32> to vector<1x16xf32>
      tpu.vector_store %arg7[%swap3A_134, %swap3A_135], %swap3A_138 {strides = array<i32>} : memref<16x128xf32, #tpu.memory_space<vmem>>, vector<1x16xf32>,
      %scan3A_139 = arith.constant 0 : i32
      scf.yield %scan3A_139 : i32
    }
    %scan3A_7 = arith.constant 16 : i32
    %mul3A_8 = arith.constant 12 : i32
    %mul3A_9 = arith.muli %mul3A_8, %add3A : i32
    %min3A = arith.constant 14 : i32
    %min3A_10 = arith.minsi %add3A, %min3A : i32
    %add3A_11 = arith.addi %mul3A_9, %min3A_10 : i32
    %lt3A = arith.constant 14 : i32
    %lt3A_12 = arith.cmpi slt, %add3A, %lt3A : i32
    %jit3A = arith.constant 13 : i32
    %jit3A_13 = arith.constant 12 : i32
    %select_n3A = arith.select %lt3A_12, %jit3A, %jit3A_13 : i32
    %add3A_14 = arith.constant 0 : i32
    %add3A_15 = arith.addi %add3A_11, %add3A_14 : i32
    %mul3A_16 = arith.constant 128 : i32
    %mul3A_17 = arith.muli %add3A_15, %mul3A_16 : i32
    %add3A_18 = arith.constant 49152 : i32
    %add3A_19 = arith.addi %add3A_18, %mul3A_17 : i32
    %min3A_20 = arith.constant 99872 : i32
    %min3A_21 = arith.minsi %add3A_19, %min3A_20 : i32
    %dma_start3A = arith.constant 0 : i32
    %dma_start3A_22 = arith.constant 0 : i32
    %dma_start3A_23 = arith.constant 0 : i32
    %dma_start3A_24 = arith.constant 0 : i32
    %dma_start3A_25 = tpu.memref_slice %arg5[%dma_start3A, %dma_start3A_23, %dma_start3A_24] : memref<2x128x128xf32, #tpu.memory_space<vmem>> -> memref<1x128x128xf32, #tpu.memory_space<vmem>>
    %dma_start3A_26 = tpu.memref_squeeze %dma_start3A_25 : memref<1x128x128xf32, #tpu.memory_space<vmem>> -> memref<128x128xf32, #tpu.memory_space<vmem>>
    %dma_start3A_27 = arith.constant 0 : i32
    %dma_start3A_28 = tpu.memref_slice %arg2[%min3A_21, %dma_start3A_27] : memref<100000x128xf32, #tpu.memory_space<hbm>> -> memref<128x128xf32, #tpu.memory_space<hbm>>
    %dma_start3A_29 = tpu.memref_slice %arg9[%dma_start3A_22] : memref<2x!tpu.dma_semaphore, #tpu.memory_space<semaphore_mem>> -> memref<1x!tpu.dma_semaphore, #tpu.memory_space<semaphore_mem>>
    %dma_start3A_30 = tpu.memref_squeeze %dma_start3A_29 : memref<1x!tpu.dma_semaphore, #tpu.memory_space<semaphore_mem>> -> memref<!tpu.dma_semaphore, #tpu.memory_space<semaphore_mem>>
    %dma_start3A_31 = arith.constant 0 : i32
    %dma_start3A_32 = arith.constant 0 : i32
    %dma_start3A_33 = tpu.memref_slice %arg5[%dma_start3A, %dma_start3A_31, %dma_start3A_32] : memref<2x128x128xf32, #tpu.memory_space<vmem>> -> memref<1x128x128xf32, #tpu.memory_space<vmem>>
    %dma_start3A_34 = tpu.memref_squeeze %dma_start3A_33 : memref<1x128x128xf32, #tpu.memory_space<vmem>> -> memref<128x128xf32, #tpu.memory_space<vmem>>
    %dma_start3A_35 = arith.constant 0 : i32
    %dma_start3A_36 = tpu.memref_slice %arg2[%min3A_21, %dma_start3A_35] : memref<100000x128xf32, #tpu.memory_space<hbm>> -> memref<128x128xf32, #tpu.memory_space<hbm>>
    tpu.enqueue_dma source(%dma_start3A_36 : memref<128x128xf32, #tpu.memory_space<hbm>>) target(%dma_start3A_34 : memref<128x128xf32, #tpu.memory_space<vmem>>) target_semaphore(%dma_start3A_30 : memref<!tpu.dma_semaphore, #tpu.memory_space<semaphore_mem>>)
    %add3A_37 = arith.constant 0 : i32
    %add3A_38 = arith.addi %add3A_11, %add3A_37 : i32
    %mul3A_39 = arith.constant 128 : i32
    %mul3A_40 = arith.muli %add3A_38, %mul3A_39 : i32
    %add3A_41 = arith.constant 49152 : i32
    %add3A_42 = arith.addi %add3A_41, %mul3A_40 : i32
    %min3A_43 = arith.constant 99872 : i32
    %min3A_44 = arith.minsi %add3A_42, %min3A_43 : i32
    %dma_start3A_45 = arith.constant 0 : i32
    %dma_start3A_46 = arith.constant 0 : i32
    %dma_start3A_47 = arith.constant 0 : i32
    %dma_start3A_48 = tpu.memref_slice %arg6[%dma_start3A_45, %dma_start3A_47] : memref<2x128xi32, #tpu.memory_space<vmem>> -> memref<1x128xi32, #tpu.memory_space<vmem>>
    %dma_start3A_49 = tpu.memref_squeeze %dma_start3A_48 : memref<1x128xi32, #tpu.memory_space<vmem>> -> memref<128xi32, #tpu.memory_space<vmem>>
    %dma_start3A_50 = tpu.memref_slice %arg3[%min3A_44] : memref<100000xi32, #tpu.memory_space<hbm>> -> memref<128xi32, #tpu.memory_space<hbm>>
    %dma_start3A_51 = tpu.memref_slice %arg10[%dma_start3A_46] : memref<2x!tpu.dma_semaphore, #tpu.memory_space<semaphore_mem>> -> memref<1x!tpu.dma_semaphore, #tpu.memory_space<semaphore_mem>>
    %dma_start3A_52 = tpu.memref_squeeze %dma_start3A_51 : memref<1x!tpu.dma_semaphore, #tpu.memory_space<semaphore_mem>> -> memref<!tpu.dma_semaphore, #tpu.memory_space<semaphore_mem>>
    %dma_start3A_53 = arith.constant 0 : i32
    %dma_start3A_54 = tpu.memref_slice %arg6[%dma_start3A_45, %dma_start3A_53] : memref<2x128xi32, #tpu.memory_space<vmem>> -> memref<1x128xi32, #tpu.memory_space<vmem>>
    %dma_start3A_55 = tpu.memref_squeeze %dma_start3A_54 : memref<1x128xi32, #tpu.memory_space<vmem>> -> memref<128xi32, #tpu.memory_space<vmem>>
    %dma_start3A_56 = tpu.memref_slice %arg3[%min3A_44] : memref<100000xi32, #tpu.memory_space<hbm>> -> memref<128xi32, #tpu.memory_space<hbm>>
    tpu.enqueue_dma source(%dma_start3A_56 : memref<128xi32, #tpu.memory_space<hbm>>) target(%dma_start3A_55 : memref<128xi32, #tpu.memory_space<vmem>>) target_semaphore(%dma_start3A_52 : memref<!tpu.dma_semaphore, #tpu.memory_space<semaphore_mem>>)
    %mul3A_57 = arith.constant 16 : i32
    %mul3A_58 = arith.muli %arg1, %mul3A_57 : i32
    "tpu.region"() ({
      %run_scoped3A = tpu.sem_alloc : memref<!tpu.dma_semaphore, #tpu.memory_space<semaphore_mem>>
      %dma_start3A_98 = arith.constant 0 : i32
      %dma_start3A_99 = tpu.memref_slice %arg8[%mul3A_58, %dma_start3A_98] : memref<264x128xf32, #tpu.memory_space<vmem_shared>> -> memref<16x128xf32, #tpu.memory_space<vmem_shared>>
      %dma_start3A_100 = arith.constant 0 : i32
      %dma_start3A_101 = tpu.memref_slice %arg8[%mul3A_58, %dma_start3A_100] : memref<264x128xf32, #tpu.memory_space<vmem_shared>> -> memref<16x128xf32, #tpu.memory_space<vmem_shared>>
      tpu.enqueue_dma source(%arg7 : memref<16x128xf32, #tpu.memory_space<vmem>>) target(%dma_start3A_101 : memref<16x128xf32, #tpu.memory_space<vmem_shared>>) target_semaphore(%run_scoped3A : memref<!tpu.dma_semaphore, #tpu.memory_space<semaphore_mem>>)
      %dma_wait3A_102 = arith.constant 0 : i32
      %dma_wait3A_103 = tpu.memref_slice %arg8[%mul3A_58, %dma_wait3A_102] : memref<264x128xf32, #tpu.memory_space<vmem_shared>> -> memref<16x128xf32, #tpu.memory_space<vmem_shared>>
      %dma_wait3A_104 = arith.constant 0 : i32
      %dma_wait3A_105 = tpu.memref_slice %arg8[%mul3A_58, %dma_wait3A_104] : memref<264x128xf32, #tpu.memory_space<vmem_shared>> -> memref<16x128xf32, #tpu.memory_space<vmem_shared>>
      tpu.wait_dma2 semaphore(%run_scoped3A : memref<!tpu.dma_semaphore, #tpu.memory_space<semaphore_mem>>) src(%arg7 : memref<16x128xf32, #tpu.memory_space<vmem>>) dst(%dma_wait3A_105 : memref<16x128xf32, #tpu.memory_space<vmem_shared>>)
      tpu.yield
    }) : () -> ()
    %barrier3A = arith.constant 0 : index
    tpu.barrier barrier_id(%barrier3A)
    %scan3A_59 = arith.constant 0 : i32
    %scan3A_60 = arith.constant 0 : i32
    %scan3A_61 = arith.constant 13 : i32
    %scan3A_62 = arith.addi %scan3A_60, %scan3A_61 : i32
    %scan3A_63 = arith.constant 1 : i32
    %scan3A_64 = scf.for %scan3A_98 = %scan3A_60 to %scan3A_62 step %scan3A_63 iter_args(%scan3A_99 = %scan3A_59) -> (i32)  : i32 {
      %rem3A = arith.constant 2 : i32
      %rem3A_100 = arith.remsi %scan3A_98, %rem3A : i32
      %lt3A_101 = arith.cmpi slt, %scan3A_98, %select_n3A : i32
      %convert_element_type3A_102 = arith.extui %lt3A_101 : i1 to i32
      %cond3A_103 = arith.constant 0 : i32
      %cond3A_104 = arith.cmpi ne, %convert_element_type3A_102, %cond3A_103 : i32
      scf.if %cond3A_104 {
        %add3A_106 = arith.addi %add3A_11, %scan3A_98 : i32
        %mul3A_107 = arith.constant 128 : i32
        %mul3A_108 = arith.muli %add3A_106, %mul3A_107 : i32
        %add3A_109 = arith.constant 49152 : i32
        %add3A_110 = arith.addi %add3A_109, %mul3A_108 : i32
        %add3A_111 = arith.addi %add3A_11, %scan3A_98 : i32
        %mul3A_112 = arith.constant 128 : i32
        %mul3A_113 = arith.muli %add3A_111, %mul3A_112 : i32
        %add3A_114 = arith.constant 49152 : i32
        %add3A_115 = arith.addi %add3A_114, %mul3A_113 : i32
        %min3A_116 = arith.constant 99872 : i32
        %min3A_117 = arith.minsi %add3A_115, %min3A_116 : i32
        %add3A_118 = arith.addi %add3A_11, %scan3A_98 : i32
        %mul3A_119 = arith.constant 128 : i32
        %mul3A_120 = arith.muli %add3A_118, %mul3A_119 : i32
        %add3A_121 = arith.constant 49152 : i32
        %add3A_122 = arith.addi %add3A_121, %mul3A_120 : i32
        %min3A_123 = arith.constant 99872 : i32
        %min3A_124 = arith.minsi %add3A_122, %min3A_123 : i32
        %dma_wait3A_125 = arith.constant 0 : i32
        %dma_wait3A_126 = arith.constant 0 : i32
        %dma_wait3A_127 = tpu.memref_slice %arg5[%rem3A_100, %dma_wait3A_125, %dma_wait3A_126] : memref<2x128x128xf32, #tpu.memory_space<vmem>> -> memref<1x128x128xf32, #tpu.memory_space<vmem>>
        %dma_wait3A_128 = tpu.memref_squeeze %dma_wait3A_127 : memref<1x128x128xf32, #tpu.memory_space<vmem>> -> memref<128x128xf32, #tpu.memory_space<vmem>>
        %dma_wait3A_129 = arith.constant 0 : i32
        %dma_wait3A_130 = tpu.memref_slice %arg2[%min3A_124, %dma_wait3A_129] : memref<100000x128xf32, #tpu.memory_space<hbm>> -> memref<128x128xf32, #tpu.memory_space<hbm>>
        %dma_wait3A_131 = tpu.memref_slice %arg9[%rem3A_100] : memref<2x!tpu.dma_semaphore, #tpu.memory_space<semaphore_mem>> -> memref<1x!tpu.dma_semaphore, #tpu.memory_space<semaphore_mem>>
        %dma_wait3A_132 = tpu.memref_squeeze %dma_wait3A_131 : memref<1x!tpu.dma_semaphore, #tpu.memory_space<semaphore_mem>> -> memref<!tpu.dma_semaphore, #tpu.memory_space<semaphore_mem>>
        %dma_wait3A_133 = arith.constant 0 : i32
        %dma_wait3A_134 = arith.constant 0 : i32
        %dma_wait3A_135 = tpu.memref_slice %arg5[%rem3A_100, %dma_wait3A_133, %dma_wait3A_134] : memref<2x128x128xf32, #tpu.memory_space<vmem>> -> memref<1x128x128xf32, #tpu.memory_space<vmem>>
        %dma_wait3A_136 = tpu.memref_squeeze %dma_wait3A_135 : memref<1x128x128xf32, #tpu.memory_space<vmem>> -> memref<128x128xf32, #tpu.memory_space<vmem>>
        %dma_wait3A_137 = arith.constant 0 : i32
        %dma_wait3A_138 = tpu.memref_slice %arg2[%min3A_124, %dma_wait3A_137] : memref<100000x128xf32, #tpu.memory_space<hbm>> -> memref<128x128xf32, #tpu.memory_space<hbm>>
        tpu.wait_dma2 semaphore(%dma_wait3A_132 : memref<!tpu.dma_semaphore, #tpu.memory_space<semaphore_mem>>) src(%dma_wait3A_138 : memref<128x128xf32, #tpu.memory_space<hbm>>) dst(%dma_wait3A_136 : memref<128x128xf32, #tpu.memory_space<vmem>>)
        %add3A_139 = arith.addi %add3A_11, %scan3A_98 : i32
        %mul3A_140 = arith.constant 128 : i32
        %mul3A_141 = arith.muli %add3A_139, %mul3A_140 : i32
        %add3A_142 = arith.constant 49152 : i32
        %add3A_143 = arith.addi %add3A_142, %mul3A_141 : i32
        %min3A_144 = arith.constant 99872 : i32
        %min3A_145 = arith.minsi %add3A_143, %min3A_144 : i32
        %dma_wait3A_146 = arith.constant 0 : i32
        %dma_wait3A_147 = tpu.memref_slice %arg6[%rem3A_100, %dma_wait3A_146] : memref<2x128xi32, #tpu.memory_space<vmem>> -> memref<1x128xi32, #tpu.memory_space<vmem>>
        %dma_wait3A_148 = tpu.memref_squeeze %dma_wait3A_147 : memref<1x128xi32, #tpu.memory_space<vmem>> -> memref<128xi32, #tpu.memory_space<vmem>>
        %dma_wait3A_149 = tpu.memref_slice %arg3[%min3A_145] : memref<100000xi32, #tpu.memory_space<hbm>> -> memref<128xi32, #tpu.memory_space<hbm>>
        %dma_wait3A_150 = tpu.memref_slice %arg10[%rem3A_100] : memref<2x!tpu.dma_semaphore, #tpu.memory_space<semaphore_mem>> -> memref<1x!tpu.dma_semaphore, #tpu.memory_space<semaphore_mem>>
        %dma_wait3A_151 = tpu.memref_squeeze %dma_wait3A_150 : memref<1x!tpu.dma_semaphore, #tpu.memory_space<semaphore_mem>> -> memref<!tpu.dma_semaphore, #tpu.memory_space<semaphore_mem>>
        %dma_wait3A_152 = arith.constant 0 : i32
        %dma_wait3A_153 = tpu.memref_slice %arg6[%rem3A_100, %dma_wait3A_152] : memref<2x128xi32, #tpu.memory_space<vmem>> -> memref<1x128xi32, #tpu.memory_space<vmem>>
        %dma_wait3A_154 = tpu.memref_squeeze %dma_wait3A_153 : memref<1x128xi32, #tpu.memory_space<vmem>> -> memref<128xi32, #tpu.memory_space<vmem>>
        %dma_wait3A_155 = tpu.memref_slice %arg3[%min3A_145] : memref<100000xi32, #tpu.memory_space<hbm>> -> memref<128xi32, #tpu.memory_space<hbm>>
        tpu.wait_dma2 semaphore(%dma_wait3A_151 : memref<!tpu.dma_semaphore, #tpu.memory_space<semaphore_mem>>) src(%dma_wait3A_155 : memref<128xi32, #tpu.memory_space<hbm>>) dst(%dma_wait3A_154 : memref<128xi32, #tpu.memory_space<vmem>>)
        %ne3A = arith.cmpi ne, %min3A_117, %add3A_110 : i32
        %convert_element_type3A_156 = arith.extui %ne3A : i1 to i32
        %cond3A_157 = arith.constant 0 : i32
        %cond3A_158 = arith.cmpi ne, %convert_element_type3A_156, %cond3A_157 : i32
        scf.if %cond3A_158 {
          %add3A_177 = arith.constant 0 : i32
          %add3A_178 = arith.addi %min3A_117, %add3A_177 : i32
          %iota3A = tpu.iota {dimensions = array<i32: 0>} : vector<16xi32>
          %add3A_179 = vector.broadcast %add3A_178 : i32 to vector<16xi32>
          %add3A_180 = arith.addi %add3A_179, %iota3A : vector<16xi32>
          %get3A = arith.index_cast %rem3A_100 : i32 to index
          %get3A_181 = arith.constant 0 : index
          %get3A_182 = tpu.vector_load %arg6[%get3A, %get3A_181] {strides = array<i32>} : memref<2x128xi32, #tpu.memory_space<vmem>>, vector<1x16xi32>,
          %get3A_183 = vector.shape_cast %get3A_182 : vector<1x16xi32> to vector<16xi32>
          %ge3A = vector.broadcast %add3A_110 : i32 to vector<16xi32>
          %ge3A_184 = arith.cmpi sge, %add3A_180, %ge3A : vector<16xi32>
          %jit3A_185 = arith.constant 256 : i32
          %broadcast_in_dim3A_186 = vector.broadcast %jit3A_185 : i32 to vector<16xi32>
          %select_n3A_187 = arith.select %ge3A_184, %get3A_183, %broadcast_in_dim3A_186 : vector<16xi1>, vector<16xi32>
          %swap3A = arith.index_cast %rem3A_100 : i32 to index
          %swap3A_188 = arith.constant 0 : index
          %swap3A_189 = tpu.vector_load %arg6[%swap3A, %swap3A_188] {strides = array<i32>} : memref<2x128xi32, #tpu.memory_space<vmem>>, vector<1x16xi32>,
          %swap3A_190 = vector.shape_cast %swap3A_189 : vector<1x16xi32> to vector<16xi32>
          %swap3A_191 = vector.shape_cast %select_n3A_187 : vector<16xi32> to vector<1x16xi32>
          tpu.vector_store %arg6[%swap3A, %swap3A_188], %swap3A_191 {strides = array<i32>} : memref<2x128xi32, #tpu.memory_space<vmem>>, vector<1x16xi32>,
          %add3A_192 = arith.constant 16 : i32
          %add3A_193 = arith.addi %min3A_117, %add3A_192 : i32
          %iota3A_194 = tpu.iota {dimensions = array<i32: 0>} : vector<16xi32>
          %add3A_195 = vector.broadcast %add3A_193 : i32 to vector<16xi32>
          %add3A_196 = arith.addi %add3A_195, %iota3A_194 : vector<16xi32>
          %get3A_197 = arith.index_cast %rem3A_100 : i32 to index
          %get3A_198 = arith.constant 16 : index
          %get3A_199 = tpu.vector_load %arg6[%get3A_197, %get3A_198] {strides = array<i32>} : memref<2x128xi32, #tpu.memory_space<vmem>>, vector<1x16xi32>,
          %get3A_200 = vector.shape_cast %get3A_199 : vector<1x16xi32> to vector<16xi32>
          %ge3A_201 = vector.broadcast %add3A_110 : i32 to vector<16xi32>
          %ge3A_202 = arith.cmpi sge, %add3A_196, %ge3A_201 : vector<16xi32>
          %jit3A_203 = arith.constant 256 : i32
          %broadcast_in_dim3A_204 = vector.broadcast %jit3A_203 : i32 to vector<16xi32>
          %select_n3A_205 = arith.select %ge3A_202, %get3A_200, %broadcast_in_dim3A_204 : vector<16xi1>, vector<16xi32>
          %swap3A_206 = arith.index_cast %rem3A_100 : i32 to index
          %swap3A_207 = arith.constant 16 : index
          %swap3A_208 = tpu.vector_load %arg6[%swap3A_206, %swap3A_207] {strides = array<i32>} : memref<2x128xi32, #tpu.memory_space<vmem>>, vector<1x16xi32>,
          %swap3A_209 = vector.shape_cast %swap3A_208 : vector<1x16xi32> to vector<16xi32>
          %swap3A_210 = vector.shape_cast %select_n3A_205 : vector<16xi32> to vector<1x16xi32>
          tpu.vector_store %arg6[%swap3A_206, %swap3A_207], %swap3A_210 {strides = array<i32>} : memref<2x128xi32, #tpu.memory_space<vmem>>, vector<1x16xi32>,
          %add3A_211 = arith.constant 32 : i32
          %add3A_212 = arith.addi %min3A_117, %add3A_211 : i32
          %iota3A_213 = tpu.iota {dimensions = array<i32: 0>} : vector<16xi32>
          %add3A_214 = vector.broadcast %add3A_212 : i32 to vector<16xi32>
          %add3A_215 = arith.addi %add3A_214, %iota3A_213 : vector<16xi32>
          %get3A_216 = arith.index_cast %rem3A_100 : i32 to index
          %get3A_217 = arith.constant 32 : index
          %get3A_218 = tpu.vector_load %arg6[%get3A_216, %get3A_217] {strides = array<i32>} : memref<2x128xi32, #tpu.memory_space<vmem>>, vector<1x16xi32>,
          %get3A_219 = vector.shape_cast %get3A_218 : vector<1x16xi32> to vector<16xi32>
          %ge3A_220 = vector.broadcast %add3A_110 : i32 to vector<16xi32>
          %ge3A_221 = arith.cmpi sge, %add3A_215, %ge3A_220 : vector<16xi32>
          %jit3A_222 = arith.constant 256 : i32
          %broadcast_in_dim3A_223 = vector.broadcast %jit3A_222 : i32 to vector<16xi32>
          %select_n3A_224 = arith.select %ge3A_221, %get3A_219, %broadcast_in_dim3A_223 : vector<16xi1>, vector<16xi32>
          %swap3A_225 = arith.index_cast %rem3A_100 : i32 to index
          %swap3A_226 = arith.constant 32 : index
          %swap3A_227 = tpu.vector_load %arg6[%swap3A_225, %swap3A_226] {strides = array<i32>} : memref<2x128xi32, #tpu.memory_space<vmem>>, vector<1x16xi32>,
          %swap3A_228 = vector.shape_cast %swap3A_227 : vector<1x16xi32> to vector<16xi32>
          %swap3A_229 = vector.shape_cast %select_n3A_224 : vector<16xi32> to vector<1x16xi32>
          tpu.vector_store %arg6[%swap3A_225, %swap3A_226], %swap3A_229 {strides = array<i32>} : memref<2x128xi32, #tpu.memory_space<vmem>>, vector<1x16xi32>,
          %add3A_230 = arith.constant 48 : i32
          %add3A_231 = arith.addi %min3A_117, %add3A_230 : i32
          %iota3A_232 = tpu.iota {dimensions = array<i32: 0>} : vector<16xi32>
          %add3A_233 = vector.broadcast %add3A_231 : i32 to vector<16xi32>
          %add3A_234 = arith.addi %add3A_233, %iota3A_232 : vector<16xi32>
          %get3A_235 = arith.index_cast %rem3A_100 : i32 to index
          %get3A_236 = arith.constant 48 : index
          %get3A_237 = tpu.vector_load %arg6[%get3A_235, %get3A_236] {strides = array<i32>} : memref<2x128xi32, #tpu.memory_space<vmem>>, vector<1x16xi32>,
          %get3A_238 = vector.shape_cast %get3A_237 : vector<1x16xi32> to vector<16xi32>
          %ge3A_239 = vector.broadcast %add3A_110 : i32 to vector<16xi32>
          %ge3A_240 = arith.cmpi sge, %add3A_234, %ge3A_239 : vector<16xi32>
          %jit3A_241 = arith.constant 256 : i32
          %broadcast_in_dim3A_242 = vector.broadcast %jit3A_241 : i32 to vector<16xi32>
          %select_n3A_243 = arith.select %ge3A_240, %get3A_238, %broadcast_in_dim3A_242 : vector<16xi1>, vector<16xi32>
          %swap3A_244 = arith.index_cast %rem3A_100 : i32 to index
          %swap3A_245 = arith.constant 48 : index
          %swap3A_246 = tpu.vector_load %arg6[%swap3A_244, %swap3A_245] {strides = array<i32>} : memref<2x128xi32, #tpu.memory_space<vmem>>, vector<1x16xi32>,
          %swap3A_247 = vector.shape_cast %swap3A_246 : vector<1x16xi32> to vector<16xi32>
          %swap3A_248 = vector.shape_cast %select_n3A_243 : vector<16xi32> to vector<1x16xi32>
          tpu.vector_store %arg6[%swap3A_244, %swap3A_245], %swap3A_248 {strides = array<i32>} : memref<2x128xi32, #tpu.memory_space<vmem>>, vector<1x16xi32>,
          %add3A_249 = arith.constant 64 : i32
          %add3A_250 = arith.addi %min3A_117, %add3A_249 : i32
          %iota3A_251 = tpu.iota {dimensions = array<i32: 0>} : vector<16xi32>
          %add3A_252 = vector.broadcast %add3A_250 : i32 to vector<16xi32>
          %add3A_253 = arith.addi %add3A_252, %iota3A_251 : vector<16xi32>
          %get3A_254 = arith.index_cast %rem3A_100 : i32 to index
          %get3A_255 = arith.constant 64 : index
          %get3A_256 = tpu.vector_load %arg6[%get3A_254, %get3A_255] {strides = array<i32>} : memref<2x128xi32, #tpu.memory_space<vmem>>, vector<1x16xi32>,
          %get3A_257 = vector.shape_cast %get3A_256 : vector<1x16xi32> to vector<16xi32>
          %ge3A_258 = vector.broadcast %add3A_110 : i32 to vector<16xi32>
          %ge3A_259 = arith.cmpi sge, %add3A_253, %ge3A_258 : vector<16xi32>
          %jit3A_260 = arith.constant 256 : i32
          %broadcast_in_dim3A_261 = vector.broadcast %jit3A_260 : i32 to vector<16xi32>
          %select_n3A_262 = arith.select %ge3A_259, %get3A_257, %broadcast_in_dim3A_261 : vector<16xi1>, vector<16xi32>
          %swap3A_263 = arith.index_cast %rem3A_100 : i32 to index
          %swap3A_264 = arith.constant 64 : index
          %swap3A_265 = tpu.vector_load %arg6[%swap3A_263, %swap3A_264] {strides = array<i32>} : memref<2x128xi32, #tpu.memory_space<vmem>>, vector<1x16xi32>,
          %swap3A_266 = vector.shape_cast %swap3A_265 : vector<1x16xi32> to vector<16xi32>
          %swap3A_267 = vector.shape_cast %select_n3A_262 : vector<16xi32> to vector<1x16xi32>
          tpu.vector_store %arg6[%swap3A_263, %swap3A_264], %swap3A_267 {strides = array<i32>} : memref<2x128xi32, #tpu.memory_space<vmem>>, vector<1x16xi32>,
          %add3A_268 = arith.constant 80 : i32
          %add3A_269 = arith.addi %min3A_117, %add3A_268 : i32
          %iota3A_270 = tpu.iota {dimensions = array<i32: 0>} : vector<16xi32>
          %add3A_271 = vector.broadcast %add3A_269 : i32 to vector<16xi32>
          %add3A_272 = arith.addi %add3A_271, %iota3A_270 : vector<16xi32>
          %get3A_273 = arith.index_cast %rem3A_100 : i32 to index
          %get3A_274 = arith.constant 80 : index
          %get3A_275 = tpu.vector_load %arg6[%get3A_273, %get3A_274] {strides = array<i32>} : memref<2x128xi32, #tpu.memory_space<vmem>>, vector<1x16xi32>,
          %get3A_276 = vector.shape_cast %get3A_275 : vector<1x16xi32> to vector<16xi32>
          %ge3A_277 = vector.broadcast %add3A_110 : i32 to vector<16xi32>
          %ge3A_278 = arith.cmpi sge, %add3A_272, %ge3A_277 : vector<16xi32>
          %jit3A_279 = arith.constant 256 : i32
          %broadcast_in_dim3A_280 = vector.broadcast %jit3A_279 : i32 to vector<16xi32>
          %select_n3A_281 = arith.select %ge3A_278, %get3A_276, %broadcast_in_dim3A_280 : vector<16xi1>, vector<16xi32>
          %swap3A_282 = arith.index_cast %rem3A_100 : i32 to index
          %swap3A_283 = arith.constant 80 : index
          %swap3A_284 = tpu.vector_load %arg6[%swap3A_282, %swap3A_283] {strides = array<i32>} : memref<2x128xi32, #tpu.memory_space<vmem>>, vector<1x16xi32>,
          %swap3A_285 = vector.shape_cast %swap3A_284 : vector<1x16xi32> to vector<16xi32>
          %swap3A_286 = vector.shape_cast %select_n3A_281 : vector<16xi32> to vector<1x16xi32>
          tpu.vector_store %arg6[%swap3A_282, %swap3A_283], %swap3A_286 {strides = array<i32>} : memref<2x128xi32, #tpu.memory_space<vmem>>, vector<1x16xi32>,
          %add3A_287 = arith.constant 96 : i32
          %add3A_288 = arith.addi %min3A_117, %add3A_287 : i32
          %iota3A_289 = tpu.iota {dimensions = array<i32: 0>} : vector<16xi32>
          %add3A_290 = vector.broadcast %add3A_288 : i32 to vector<16xi32>
          %add3A_291 = arith.addi %add3A_290, %iota3A_289 : vector<16xi32>
          %get3A_292 = arith.index_cast %rem3A_100 : i32 to index
          %get3A_293 = arith.constant 96 : index
          %get3A_294 = tpu.vector_load %arg6[%get3A_292, %get3A_293] {strides = array<i32>} : memref<2x128xi32, #tpu.memory_space<vmem>>, vector<1x16xi32>,
          %get3A_295 = vector.shape_cast %get3A_294 : vector<1x16xi32> to vector<16xi32>
          %ge3A_296 = vector.broadcast %add3A_110 : i32 to vector<16xi32>
          %ge3A_297 = arith.cmpi sge, %add3A_291, %ge3A_296 : vector<16xi32>
          %jit3A_298 = arith.constant 256 : i32
          %broadcast_in_dim3A_299 = vector.broadcast %jit3A_298 : i32 to vector<16xi32>
          %select_n3A_300 = arith.select %ge3A_297, %get3A_295, %broadcast_in_dim3A_299 : vector<16xi1>, vector<16xi32>
          %swap3A_301 = arith.index_cast %rem3A_100 : i32 to index
          %swap3A_302 = arith.constant 96 : index
          %swap3A_303 = tpu.vector_load %arg6[%swap3A_301, %swap3A_302] {strides = array<i32>} : memref<2x128xi32, #tpu.memory_space<vmem>>, vector<1x16xi32>,
          %swap3A_304 = vector.shape_cast %swap3A_303 : vector<1x16xi32> to vector<16xi32>
          %swap3A_305 = vector.shape_cast %select_n3A_300 : vector<16xi32> to vector<1x16xi32>
          tpu.vector_store %arg6[%swap3A_301, %swap3A_302], %swap3A_305 {strides = array<i32>} : memref<2x128xi32, #tpu.memory_space<vmem>>, vector<1x16xi32>,
          %add3A_306 = arith.constant 112 : i32
          %add3A_307 = arith.addi %min3A_117, %add3A_306 : i32
          %iota3A_308 = tpu.iota {dimensions = array<i32: 0>} : vector<16xi32>
          %add3A_309 = vector.broadcast %add3A_307 : i32 to vector<16xi32>
          %add3A_310 = arith.addi %add3A_309, %iota3A_308 : vector<16xi32>
          %get3A_311 = arith.index_cast %rem3A_100 : i32 to index
          %get3A_312 = arith.constant 112 : index
          %get3A_313 = tpu.vector_load %arg6[%get3A_311, %get3A_312] {strides = array<i32>} : memref<2x128xi32, #tpu.memory_space<vmem>>, vector<1x16xi32>,
          %get3A_314 = vector.shape_cast %get3A_313 : vector<1x16xi32> to vector<16xi32>
          %ge3A_315 = vector.broadcast %add3A_110 : i32 to vector<16xi32>
          %ge3A_316 = arith.cmpi sge, %add3A_310, %ge3A_315 : vector<16xi32>
          %jit3A_317 = arith.constant 256 : i32
          %broadcast_in_dim3A_318 = vector.broadcast %jit3A_317 : i32 to vector<16xi32>
          %select_n3A_319 = arith.select %ge3A_316, %get3A_314, %broadcast_in_dim3A_318 : vector<16xi1>, vector<16xi32>
          %swap3A_320 = arith.index_cast %rem3A_100 : i32 to index
          %swap3A_321 = arith.constant 112 : index
          %swap3A_322 = tpu.vector_load %arg6[%swap3A_320, %swap3A_321] {strides = array<i32>} : memref<2x128xi32, #tpu.memory_space<vmem>>, vector<1x16xi32>,
          %swap3A_323 = vector.shape_cast %swap3A_322 : vector<1x16xi32> to vector<16xi32>
          %swap3A_324 = vector.shape_cast %select_n3A_319 : vector<16xi32> to vector<1x16xi32>
          tpu.vector_store %arg6[%swap3A_320, %swap3A_321], %swap3A_324 {strides = array<i32>} : memref<2x128xi32, #tpu.memory_space<vmem>>, vector<1x16xi32>,
        } else {
        }
        %add3A_159 = arith.constant 1 : i32
        %add3A_160 = arith.addi %scan3A_98, %add3A_159 : i32
        %lt3A_161 = arith.cmpi slt, %add3A_160, %select_n3A : i32
        %convert_element_type3A_162 = arith.extui %lt3A_161 : i1 to i32
        %cond3A_163 = arith.constant 0 : i32
        %cond3A_164 = arith.cmpi ne, %convert_element_type3A_162, %cond3A_163 : i32
        scf.if %cond3A_164 {
          %add3A_177 = arith.constant 1 : i32
          %add3A_178 = arith.addi %scan3A_98, %add3A_177 : i32
          %rem3A_179 = arith.constant 2 : i32
          %rem3A_180 = arith.remsi %add3A_178, %rem3A_179 : i32
          %ge3A = arith.constant 1 : i32
          %ge3A_181 = arith.cmpi sge, %scan3A_98, %ge3A : i32
          %convert_element_type3A_182 = arith.extui %ge3A_181 : i1 to i32
          %cond3A_183 = arith.constant 0 : i32
          %cond3A_184 = arith.cmpi ne, %convert_element_type3A_182, %cond3A_183 : i32
          scf.if %cond3A_184 {
            %dma_wait3A_225 = arith.constant 0 : i32
            %dma_wait3A_226 = arith.constant 0 : i32
            %dma_wait3A_227 = tpu.memref_slice %arg5[%rem3A_180, %dma_wait3A_225, %dma_wait3A_226] : memref<2x128x128xf32, #tpu.memory_space<vmem>> -> memref<1x128x128xf32, #tpu.memory_space<vmem>>
            %dma_wait3A_228 = tpu.memref_squeeze %dma_wait3A_227 : memref<1x128x128xf32, #tpu.memory_space<vmem>> -> memref<128x128xf32, #tpu.memory_space<vmem>>
            %dma_wait3A_229 = arith.constant 0 : i32
            %dma_wait3A_230 = tpu.memref_slice %arg6[%rem3A_180, %dma_wait3A_229] : memref<2x128xi32, #tpu.memory_space<vmem>> -> memref<1x128xi32, #tpu.memory_space<vmem>>
            %dma_wait3A_231 = tpu.memref_squeeze %dma_wait3A_230 : memref<1x128xi32, #tpu.memory_space<vmem>> -> memref<128xi32, #tpu.memory_space<vmem>>
            %dma_wait3A_232 = arith.constant 0 : i32
            %dma_wait3A_233 = arith.constant 0 : i32
            %dma_wait3A_234 = tpu.memref_slice %arg8[%dma_wait3A_232, %dma_wait3A_233] : memref<264x128xf32, #tpu.memory_space<vmem_shared>> -> memref<264x128xf32, #tpu.memory_space<vmem_shared>>
            %dma_wait3A_235 = tpu.memref_slice %arg11[%rem3A_180] : memref<2x!tpu.dma_semaphore, #tpu.memory_space<semaphore_mem>> -> memref<1x!tpu.dma_semaphore, #tpu.memory_space<semaphore_mem>>
            %dma_wait3A_236 = tpu.memref_squeeze %dma_wait3A_235 : memref<1x!tpu.dma_semaphore, #tpu.memory_space<semaphore_mem>> -> memref<!tpu.dma_semaphore, #tpu.memory_space<semaphore_mem>>
            tpu.wait_indirect_dma semaphore(%dma_wait3A_236 : memref<!tpu.dma_semaphore, #tpu.memory_space<semaphore_mem>>) src(%dma_wait3A_228 : memref<128x128xf32, #tpu.memory_space<vmem>>) dst(%dma_wait3A_234 : memref<264x128xf32, #tpu.memory_space<vmem_shared>>)
          } else {
          }
          %add3A_185 = arith.constant 1 : i32
          %add3A_186 = arith.addi %scan3A_98, %add3A_185 : i32
          %add3A_187 = arith.addi %add3A_11, %add3A_186 : i32
          %mul3A_188 = arith.constant 128 : i32
          %mul3A_189 = arith.muli %add3A_187, %mul3A_188 : i32
          %add3A_190 = arith.constant 49152 : i32
          %add3A_191 = arith.addi %add3A_190, %mul3A_189 : i32
          %min3A_192 = arith.constant 99872 : i32
          %min3A_193 = arith.minsi %add3A_191, %min3A_192 : i32
          %dma_start3A_194 = arith.constant 0 : i32
          %dma_start3A_195 = arith.constant 0 : i32
          %dma_start3A_196 = tpu.memref_slice %arg5[%rem3A_180, %dma_start3A_194, %dma_start3A_195] : memref<2x128x128xf32, #tpu.memory_space<vmem>> -> memref<1x128x128xf32, #tpu.memory_space<vmem>>
          %dma_start3A_197 = tpu.memref_squeeze %dma_start3A_196 : memref<1x128x128xf32, #tpu.memory_space<vmem>> -> memref<128x128xf32, #tpu.memory_space<vmem>>
          %dma_start3A_198 = arith.constant 0 : i32
          %dma_start3A_199 = tpu.memref_slice %arg2[%min3A_193, %dma_start3A_198] : memref<100000x128xf32, #tpu.memory_space<hbm>> -> memref<128x128xf32, #tpu.memory_space<hbm>>
          %dma_start3A_200 = tpu.memref_slice %arg9[%rem3A_180] : memref<2x!tpu.dma_semaphore, #tpu.memory_space<semaphore_mem>> -> memref<1x!tpu.dma_semaphore, #tpu.memory_space<semaphore_mem>>
          %dma_start3A_201 = tpu.memref_squeeze %dma_start3A_200 : memref<1x!tpu.dma_semaphore, #tpu.memory_space<semaphore_mem>> -> memref<!tpu.dma_semaphore, #tpu.memory_space<semaphore_mem>>
          %dma_start3A_202 = arith.constant 0 : i32
          %dma_start3A_203 = arith.constant 0 : i32
          %dma_start3A_204 = tpu.memref_slice %arg5[%rem3A_180, %dma_start3A_202, %dma_start3A_203] : memref<2x128x128xf32, #tpu.memory_space<vmem>> -> memref<1x128x128xf32, #tpu.memory_space<vmem>>
          %dma_start3A_205 = tpu.memref_squeeze %dma_start3A_204 : memref<1x128x128xf32, #tpu.memory_space<vmem>> -> memref<128x128xf32, #tpu.memory_space<vmem>>
          %dma_start3A_206 = arith.constant 0 : i32
          %dma_start3A_207 = tpu.memref_slice %arg2[%min3A_193, %dma_start3A_206] : memref<100000x128xf32, #tpu.memory_space<hbm>> -> memref<128x128xf32, #tpu.memory_space<hbm>>
          tpu.enqueue_dma source(%dma_start3A_207 : memref<128x128xf32, #tpu.memory_space<hbm>>) target(%dma_start3A_205 : memref<128x128xf32, #tpu.memory_space<vmem>>) target_semaphore(%dma_start3A_201 : memref<!tpu.dma_semaphore, #tpu.memory_space<semaphore_mem>>)
          %add3A_208 = arith.addi %add3A_11, %add3A_186 : i32
          %mul3A_209 = arith.constant 128 : i32
          %mul3A_210 = arith.muli %add3A_208, %mul3A_209 : i32
          %add3A_211 = arith.constant 49152 : i32
          %add3A_212 = arith.addi %add3A_211, %mul3A_210 : i32
          %min3A_213 = arith.constant 99872 : i32
          %min3A_214 = arith.minsi %add3A_212, %min3A_213 : i32
          %dma_start3A_215 = arith.constant 0 : i32
          %dma_start3A_216 = tpu.memref_slice %arg6[%rem3A_180, %dma_start3A_215] : memref<2x128xi32, #tpu.memory_space<vmem>> -> memref<1x128xi32, #tpu.memory_space<vmem>>
          %dma_start3A_217 = tpu.memref_squeeze %dma_start3A_216 : memref<1x128xi32, #tpu.memory_space<vmem>> -> memref<128xi32, #tpu.memory_space<vmem>>
          %dma_start3A_218 = tpu.memref_slice %arg3[%min3A_214] : memref<100000xi32, #tpu.memory_space<hbm>> -> memref<128xi32, #tpu.memory_space<hbm>>
          %dma_start3A_219 = tpu.memref_slice %arg10[%rem3A_180] : memref<2x!tpu.dma_semaphore, #tpu.memory_space<semaphore_mem>> -> memref<1x!tpu.dma_semaphore, #tpu.memory_space<semaphore_mem>>
          %dma_start3A_220 = tpu.memref_squeeze %dma_start3A_219 : memref<1x!tpu.dma_semaphore, #tpu.memory_space<semaphore_mem>> -> memref<!tpu.dma_semaphore, #tpu.memory_space<semaphore_mem>>
          %dma_start3A_221 = arith.constant 0 : i32
          %dma_start3A_222 = tpu.memref_slice %arg6[%rem3A_180, %dma_start3A_221] : memref<2x128xi32, #tpu.memory_space<vmem>> -> memref<1x128xi32, #tpu.memory_space<vmem>>
          %dma_start3A_223 = tpu.memref_squeeze %dma_start3A_222 : memref<1x128xi32, #tpu.memory_space<vmem>> -> memref<128xi32, #tpu.memory_space<vmem>>
          %dma_start3A_224 = tpu.memref_slice %arg3[%min3A_214] : memref<100000xi32, #tpu.memory_space<hbm>> -> memref<128xi32, #tpu.memory_space<hbm>>
          tpu.enqueue_dma source(%dma_start3A_224 : memref<128xi32, #tpu.memory_space<hbm>>) target(%dma_start3A_223 : memref<128xi32, #tpu.memory_space<vmem>>) target_semaphore(%dma_start3A_220 : memref<!tpu.dma_semaphore, #tpu.memory_space<semaphore_mem>>)
        } else {
        }
        %dma_start3A_165 = arith.constant 0 : i32
        %dma_start3A_166 = arith.constant 0 : i32
        %dma_start3A_167 = tpu.memref_slice %arg5[%rem3A_100, %dma_start3A_165, %dma_start3A_166] : memref<2x128x128xf32, #tpu.memory_space<vmem>> -> memref<1x128x128xf32, #tpu.memory_space<vmem>>
        %dma_start3A_168 = tpu.memref_squeeze %dma_start3A_167 : memref<1x128x128xf32, #tpu.memory_space<vmem>> -> memref<128x128xf32, #tpu.memory_space<vmem>>
        %dma_start3A_169 = arith.constant 0 : i32
        %dma_start3A_170 = tpu.memref_slice %arg6[%rem3A_100, %dma_start3A_169] : memref<2x128xi32, #tpu.memory_space<vmem>> -> memref<1x128xi32, #tpu.memory_space<vmem>>
        %dma_start3A_171 = tpu.memref_squeeze %dma_start3A_170 : memref<1x128xi32, #tpu.memory_space<vmem>> -> memref<128xi32, #tpu.memory_space<vmem>>
        %dma_start3A_172 = arith.constant 0 : i32
        %dma_start3A_173 = arith.constant 0 : i32
        %dma_start3A_174 = tpu.memref_slice %arg8[%dma_start3A_172, %dma_start3A_173] : memref<264x128xf32, #tpu.memory_space<vmem_shared>> -> memref<264x128xf32, #tpu.memory_space<vmem_shared>>
        %dma_start3A_175 = tpu.memref_slice %arg11[%rem3A_100] : memref<2x!tpu.dma_semaphore, #tpu.memory_space<semaphore_mem>> -> memref<1x!tpu.dma_semaphore, #tpu.memory_space<semaphore_mem>>
        %dma_start3A_176 = tpu.memref_squeeze %dma_start3A_175 : memref<1x!tpu.dma_semaphore, #tpu.memory_space<semaphore_mem>> -> memref<!tpu.dma_semaphore, #tpu.memory_space<semaphore_mem>>
        tpu.enqueue_indirect_dma source(%dma_start3A_168 : memref<128x128xf32, #tpu.memory_space<vmem>>) target(%dma_start3A_174 : memref<264x128xf32, #tpu.memory_space<vmem_shared>>) offsets(%dma_start3A_171 : memref<128xi32, #tpu.memory_space<vmem>>) semaphore(%dma_start3A_176 : memref<!tpu.dma_semaphore, #tpu.memory_space<semaphore_mem>>) {add = true}
      } else {
      }
      %scan3A_105 = arith.constant 0 : i32
      scf.yield %scan3A_105 : i32
    }
    %scan3A_65 = arith.constant 13 : i32
    %dma_wait3A = arith.constant 0 : i32
    %dma_wait3A_66 = arith.constant 0 : i32
    %dma_wait3A_67 = arith.constant 0 : i32
    %dma_wait3A_68 = arith.constant 0 : i32
    %dma_wait3A_69 = arith.constant 0 : i32
    %dma_wait3A_70 = tpu.memref_slice %arg5[%dma_wait3A, %dma_wait3A_68, %dma_wait3A_69] : memref<2x128x128xf32, #tpu.memory_space<vmem>> -> memref<1x128x128xf32, #tpu.memory_space<vmem>>
    %dma_wait3A_71 = tpu.memref_squeeze %dma_wait3A_70 : memref<1x128x128xf32, #tpu.memory_space<vmem>> -> memref<128x128xf32, #tpu.memory_space<vmem>>
    %dma_wait3A_72 = arith.constant 0 : i32
    %dma_wait3A_73 = tpu.memref_slice %arg6[%dma_wait3A_66, %dma_wait3A_72] : memref<2x128xi32, #tpu.memory_space<vmem>> -> memref<1x128xi32, #tpu.memory_space<vmem>>
    %dma_wait3A_74 = tpu.memref_squeeze %dma_wait3A_73 : memref<1x128xi32, #tpu.memory_space<vmem>> -> memref<128xi32, #tpu.memory_space<vmem>>
    %dma_wait3A_75 = arith.constant 0 : i32
    %dma_wait3A_76 = arith.constant 0 : i32
    %dma_wait3A_77 = tpu.memref_slice %arg8[%dma_wait3A_75, %dma_wait3A_76] : memref<264x128xf32, #tpu.memory_space<vmem_shared>> -> memref<264x128xf32, #tpu.memory_space<vmem_shared>>
    %dma_wait3A_78 = tpu.memref_slice %arg11[%dma_wait3A_67] : memref<2x!tpu.dma_semaphore, #tpu.memory_space<semaphore_mem>> -> memref<1x!tpu.dma_semaphore, #tpu.memory_space<semaphore_mem>>
    %dma_wait3A_79 = tpu.memref_squeeze %dma_wait3A_78 : memref<1x!tpu.dma_semaphore, #tpu.memory_space<semaphore_mem>> -> memref<!tpu.dma_semaphore, #tpu.memory_space<semaphore_mem>>
    tpu.wait_indirect_dma semaphore(%dma_wait3A_79 : memref<!tpu.dma_semaphore, #tpu.memory_space<semaphore_mem>>) src(%dma_wait3A_71 : memref<128x128xf32, #tpu.memory_space<vmem>>) dst(%dma_wait3A_77 : memref<264x128xf32, #tpu.memory_space<vmem_shared>>)
    %dma_wait3A_80 = arith.constant 1 : i32
    %dma_wait3A_81 = arith.constant 1 : i32
    %dma_wait3A_82 = arith.constant 1 : i32
    %dma_wait3A_83 = arith.constant 0 : i32
    %dma_wait3A_84 = arith.constant 0 : i32
    %dma_wait3A_85 = tpu.memref_slice %arg5[%dma_wait3A_80, %dma_wait3A_83, %dma_wait3A_84] : memref<2x128x128xf32, #tpu.memory_space<vmem>> -> memref<1x128x128xf32, #tpu.memory_space<vmem>>
    %dma_wait3A_86 = tpu.memref_squeeze %dma_wait3A_85 : memref<1x128x128xf32, #tpu.memory_space<vmem>> -> memref<128x128xf32, #tpu.memory_space<vmem>>
    %dma_wait3A_87 = arith.constant 0 : i32
    %dma_wait3A_88 = tpu.memref_slice %arg6[%dma_wait3A_81, %dma_wait3A_87] : memref<2x128xi32, #tpu.memory_space<vmem>> -> memref<1x128xi32, #tpu.memory_space<vmem>>
    %dma_wait3A_89 = tpu.memref_squeeze %dma_wait3A_88 : memref<1x128xi32, #tpu.memory_space<vmem>> -> memref<128xi32, #tpu.memory_space<vmem>>
    %dma_wait3A_90 = arith.constant 0 : i32
    %dma_wait3A_91 = arith.constant 0 : i32
    %dma_wait3A_92 = tpu.memref_slice %arg8[%dma_wait3A_90, %dma_wait3A_91] : memref<264x128xf32, #tpu.memory_space<vmem_shared>> -> memref<264x128xf32, #tpu.memory_space<vmem_shared>>
    %dma_wait3A_93 = tpu.memref_slice %arg11[%dma_wait3A_82] : memref<2x!tpu.dma_semaphore, #tpu.memory_space<semaphore_mem>> -> memref<1x!tpu.dma_semaphore, #tpu.memory_space<semaphore_mem>>
    %dma_wait3A_94 = tpu.memref_squeeze %dma_wait3A_93 : memref<1x!tpu.dma_semaphore, #tpu.memory_space<semaphore_mem>> -> memref<!tpu.dma_semaphore, #tpu.memory_space<semaphore_mem>>
    tpu.wait_indirect_dma semaphore(%dma_wait3A_94 : memref<!tpu.dma_semaphore, #tpu.memory_space<semaphore_mem>>) src(%dma_wait3A_86 : memref<128x128xf32, #tpu.memory_space<vmem>>) dst(%dma_wait3A_92 : memref<264x128xf32, #tpu.memory_space<vmem_shared>>)
    %barrier3A_95 = arith.constant 0 : index
    tpu.barrier barrier_id(%barrier3A_95)
    %eq3A = arith.constant 0 : i32
    %eq3A_96 = arith.cmpi eq, %arg1, %eq3A : i32
    %convert_element_type3A = arith.extui %eq3A_96 : i1 to i32
    %cond3A = arith.constant 0 : i32
    %cond3A_97 = arith.cmpi ne, %convert_element_type3A, %cond3A : i32
    scf.if %cond3A_97 {
      "tpu.region"() ({
        %run_scoped3A = tpu.sem_alloc : memref<!tpu.dma_semaphore, #tpu.memory_space<semaphore_mem>>
        %dma_start3A_98 = arith.constant 0 : i32
        %dma_start3A_99 = arith.constant 0 : i32
        %dma_start3A_100 = tpu.memref_slice %arg4[%arg0, %dma_start3A_98, %dma_start3A_99] : memref<2x256x128xf32, #tpu.memory_space<hbm>> -> memref<1x256x128xf32, #tpu.memory_space<hbm>>
        %dma_start3A_101 = tpu.memref_squeeze %dma_start3A_100 : memref<1x256x128xf32, #tpu.memory_space<hbm>> -> memref<256x128xf32, #tpu.memory_space<hbm>>
        %dma_start3A_102 = arith.constant 0 : i32
        %dma_start3A_103 = arith.constant 0 : i32
        %dma_start3A_104 = tpu.memref_slice %arg8[%dma_start3A_102, %dma_start3A_103] : memref<264x128xf32, #tpu.memory_space<vmem_shared>> -> memref<256x128xf32, #tpu.memory_space<vmem_shared>>
        tpu.enqueue_dma source(%dma_start3A_104 : memref<256x128xf32, #tpu.memory_space<vmem_shared>>) target(%dma_start3A_101 : memref<256x128xf32, #tpu.memory_space<hbm>>) target_semaphore(%run_scoped3A : memref<!tpu.dma_semaphore, #tpu.memory_space<semaphore_mem>>)
        %dma_wait3A_105 = arith.constant 0 : i32
        %dma_wait3A_106 = arith.constant 0 : i32
        %dma_wait3A_107 = tpu.memref_slice %arg4[%arg0, %dma_wait3A_105, %dma_wait3A_106] : memref<2x256x128xf32, #tpu.memory_space<hbm>> -> memref<1x256x128xf32, #tpu.memory_space<hbm>>
        %dma_wait3A_108 = tpu.memref_squeeze %dma_wait3A_107 : memref<1x256x128xf32, #tpu.memory_space<hbm>> -> memref<256x128xf32, #tpu.memory_space<hbm>>
        %dma_wait3A_109 = arith.constant 0 : i32
        %dma_wait3A_110 = arith.constant 0 : i32
        %dma_wait3A_111 = tpu.memref_slice %arg8[%dma_wait3A_109, %dma_wait3A_110] : memref<264x128xf32, #tpu.memory_space<vmem_shared>> -> memref<256x128xf32, #tpu.memory_space<vmem_shared>>
        tpu.wait_dma2 semaphore(%run_scoped3A : memref<!tpu.dma_semaphore, #tpu.memory_space<semaphore_mem>>) src(%dma_wait3A_111 : memref<256x128xf32, #tpu.memory_space<vmem_shared>>) dst(%dma_wait3A_108 : memref<256x128xf32, #tpu.memory_space<hbm>>)
        tpu.yield
      }) : () -> ()
    } else {
    }
    return
  }
}

module attributes {stable_mosaic.version = 14 : i64} {
  func.func @seg(%arg0: i32, %arg1: memref<1x2048xi32, #tpu.memory_space<vmem>>, %arg2: memref<2048x128xf32, #tpu.memory_space<vmem>>, %arg3: memref<256x128xf32, #tpu.memory_space<vmem>>) attributes {dimension_semantics = [#tpu.dimension_semantics<arbitrary>], iteration_bounds = array<i64: 24>, scalar_prefetch = 0 : i64, scratch_operands = 0 : i64, tpu.core_type = #tpu.core_type<tc>, window_params = [{transform_indices = @transform_0, window_bounds = array<i64: 1, 2048>}, {transform_indices = @transform_1, window_bounds = array<i64: 2048, 128>}, {pipeline_mode = #tpu.pipeline_mode<synchronous>, transform_indices = @transform_2, window_bounds = array<i64: 256, 128>}]} {
    %eq3A = arith.constant 0 : i32
    %eq3A_0 = arith.cmpi eq, %arg0, %eq3A : i32
    %convert_element_type3A = arith.extui %eq3A_0 : i1 to i32
    %cond3A = arith.constant 0 : i32
    %cond3A_1 = arith.cmpi ne, %convert_element_type3A, %cond3A : i32
    scf.if %cond3A_1 {
      %broadcast_in_dim3A = arith.constant 0.000000e+00 : f32
      %broadcast_in_dim3A_42 = vector.broadcast %broadcast_in_dim3A : f32 to vector<256x128xf32>
      %swap3A = arith.constant 0 : index
      %swap3A_43 = arith.constant 0 : index
      %swap3A_44 = vector.load %arg3[%swap3A, %swap3A_43] : memref<256x128xf32, #tpu.memory_space<vmem>>, vector<256x128xf32>
      tpu.vector_store %arg3[%swap3A, %swap3A_43], %broadcast_in_dim3A_42 {strides = array<i32>} : memref<256x128xf32, #tpu.memory_space<vmem>>, vector<256x128xf32>,
    } else {
    }
    %get3A = arith.constant 0 : index
    %get3A_2 = arith.constant 0 : index
    %get3A_3 = vector.load %arg1[%get3A, %get3A_2] : memref<1x2048xi32, #tpu.memory_space<vmem>>, vector<1x1xi32>
    %get3A_4 = vector.extract %get3A_3[0, 0] : i32 from vector<1x1xi32>
    %get3A_5 = arith.constant 0 : index
    %get3A_6 = arith.constant 2047 : index
    %get3A_7 = vector.load %arg1[%get3A_5, %get3A_6] : memref<1x2048xi32, #tpu.memory_space<vmem>>, vector<1x1xi32>
    %get3A_8 = vector.extract %get3A_7[0, 0] : i32 from vector<1x1xi32>
    %get3A_9 = arith.constant 0 : index
    %get3A_10 = arith.constant 0 : index
    %get3A_11 = vector.load %arg2[%get3A_9, %get3A_10] : memref<2048x128xf32, #tpu.memory_space<vmem>>, vector<2048x128xf32>
    %convert_element_type3A_12 = arith.truncf %get3A_11 : vector<2048x128xf32> to vector<2048x128xbf16>
    %ge3A = arith.constant 0 : i32
    %ge3A_13 = arith.cmpi sge, %get3A_8, %ge3A : i32
    %lt3A = arith.constant 64 : i32
    %lt3A_14 = arith.cmpi slt, %get3A_4, %lt3A : i32
    %and3A = arith.andi %ge3A_13, %lt3A_14 : i1
    %convert_element_type3A_15 = arith.extui %and3A : i1 to i32
    %cond3A_16 = arith.constant 0 : i32
    %cond3A_17 = arith.cmpi ne, %convert_element_type3A_15, %cond3A_16 : i32
    scf.if %cond3A_17 {
      %iota3A = tpu.iota {dimensions = array<i32: 0>} : vector<64x2048xi32>
      %add3A = arith.constant 0 : i32
      %add3A_42 = vector.broadcast %add3A : i32 to vector<64x2048xi32>
      %add3A_43 = arith.addi %iota3A, %add3A_42 : vector<64x2048xi32>
      %get3A_44 = arith.constant 0 : index
      %get3A_45 = arith.constant 0 : index
      %get3A_46 = vector.load %arg1[%get3A_44, %get3A_45] : memref<1x2048xi32, #tpu.memory_space<vmem>>, vector<1x2048xi32>
      %eq3A_47 = vector.broadcast %get3A_46 : vector<1x2048xi32> to vector<64x2048xi32>
      %eq3A_48 = arith.cmpi eq, %eq3A_47, %add3A_43 : vector<64x2048xi32>
      %convert_element_type3A_49 = arith.extui %eq3A_48 : vector<64x2048xi1> to vector<64x2048xi32>
      %convert_element_type3A_50 = arith.sitofp %convert_element_type3A_49 : vector<64x2048xi32> to vector<64x2048xf32>
      %convert_element_type3A_51 = arith.truncf %convert_element_type3A_50 : vector<64x2048xf32> to vector<64x2048xbf16>
      %get3A_52 = arith.constant 0 : index
      %get3A_53 = arith.constant 0 : index
      %get3A_54 = vector.load %arg3[%get3A_52, %get3A_53] : memref<256x128xf32, #tpu.memory_space<vmem>>, vector<64x128xf32>
      %dot_general3A = arith.constant dense<0.000000e+00> : vector<64x128xf32>
      %dot_general3A_55 = tpu.matmul %convert_element_type3A_51, %convert_element_type3A_12, %dot_general3A {dimension_numbers = #tpu.dot_dimension_numbers<[1], [0], [0], [1], [0, 0, 1, 1], [], []>, transpose_lhs_hint = false} : vector<64x2048xbf16>, vector<2048x128xbf16>, vector<64x128xf32> -> vector<64x128xf32>
      %add3A_56 = arith.addf %get3A_54, %dot_general3A_55 : vector<64x128xf32>
      %swap3A = arith.constant 0 : index
      %swap3A_57 = arith.constant 0 : index
      %swap3A_58 = vector.load %arg3[%swap3A, %swap3A_57] : memref<256x128xf32, #tpu.memory_space<vmem>>, vector<64x128xf32>
      tpu.vector_store %arg3[%swap3A, %swap3A_57], %add3A_56 {strides = array<i32>} : memref<256x128xf32, #tpu.memory_space<vmem>>, vector<64x128xf32>,
    } else {
    }
    %ge3A_18 = arith.constant 64 : i32
    %ge3A_19 = arith.cmpi sge, %get3A_8, %ge3A_18 : i32
    %lt3A_20 = arith.constant 128 : i32
    %lt3A_21 = arith.cmpi slt, %get3A_4, %lt3A_20 : i32
    %and3A_22 = arith.andi %ge3A_19, %lt3A_21 : i1
    %convert_element_type3A_23 = arith.extui %and3A_22 : i1 to i32
    %cond3A_24 = arith.constant 0 : i32
    %cond3A_25 = arith.cmpi ne, %convert_element_type3A_23, %cond3A_24 : i32
    scf.if %cond3A_25 {
      %iota3A = tpu.iota {dimensions = array<i32: 0>} : vector<64x2048xi32>
      %add3A = arith.constant 64 : i32
      %add3A_42 = vector.broadcast %add3A : i32 to vector<64x2048xi32>
      %add3A_43 = arith.addi %iota3A, %add3A_42 : vector<64x2048xi32>
      %get3A_44 = arith.constant 0 : index
      %get3A_45 = arith.constant 0 : index
      %get3A_46 = vector.load %arg1[%get3A_44, %get3A_45] : memref<1x2048xi32, #tpu.memory_space<vmem>>, vector<1x2048xi32>
      %eq3A_47 = vector.broadcast %get3A_46 : vector<1x2048xi32> to vector<64x2048xi32>
      %eq3A_48 = arith.cmpi eq, %eq3A_47, %add3A_43 : vector<64x2048xi32>
      %convert_element_type3A_49 = arith.extui %eq3A_48 : vector<64x2048xi1> to vector<64x2048xi32>
      %convert_element_type3A_50 = arith.sitofp %convert_element_type3A_49 : vector<64x2048xi32> to vector<64x2048xf32>
      %convert_element_type3A_51 = arith.truncf %convert_element_type3A_50 : vector<64x2048xf32> to vector<64x2048xbf16>
      %get3A_52 = arith.constant 64 : index
      %get3A_53 = arith.constant 0 : index
      %get3A_54 = vector.load %arg3[%get3A_52, %get3A_53] : memref<256x128xf32, #tpu.memory_space<vmem>>, vector<64x128xf32>
      %dot_general3A = arith.constant dense<0.000000e+00> : vector<64x128xf32>
      %dot_general3A_55 = tpu.matmul %convert_element_type3A_51, %convert_element_type3A_12, %dot_general3A {dimension_numbers = #tpu.dot_dimension_numbers<[1], [0], [0], [1], [0, 0, 1, 1], [], []>, transpose_lhs_hint = false} : vector<64x2048xbf16>, vector<2048x128xbf16>, vector<64x128xf32> -> vector<64x128xf32>
      %add3A_56 = arith.addf %get3A_54, %dot_general3A_55 : vector<64x128xf32>
      %swap3A = arith.constant 64 : index
      %swap3A_57 = arith.constant 0 : index
      %swap3A_58 = vector.load %arg3[%swap3A, %swap3A_57] : memref<256x128xf32, #tpu.memory_space<vmem>>, vector<64x128xf32>
      tpu.vector_store %arg3[%swap3A, %swap3A_57], %add3A_56 {strides = array<i32>} : memref<256x128xf32, #tpu.memory_space<vmem>>, vector<64x128xf32>,
    } else {
    }
    %ge3A_26 = arith.constant 128 : i32
    %ge3A_27 = arith.cmpi sge, %get3A_8, %ge3A_26 : i32
    %lt3A_28 = arith.constant 192 : i32
    %lt3A_29 = arith.cmpi slt, %get3A_4, %lt3A_28 : i32
    %and3A_30 = arith.andi %ge3A_27, %lt3A_29 : i1
    %convert_element_type3A_31 = arith.extui %and3A_30 : i1 to i32
    %cond3A_32 = arith.constant 0 : i32
    %cond3A_33 = arith.cmpi ne, %convert_element_type3A_31, %cond3A_32 : i32
    scf.if %cond3A_33 {
      %iota3A = tpu.iota {dimensions = array<i32: 0>} : vector<64x2048xi32>
      %add3A = arith.constant 128 : i32
      %add3A_42 = vector.broadcast %add3A : i32 to vector<64x2048xi32>
      %add3A_43 = arith.addi %iota3A, %add3A_42 : vector<64x2048xi32>
      %get3A_44 = arith.constant 0 : index
      %get3A_45 = arith.constant 0 : index
      %get3A_46 = vector.load %arg1[%get3A_44, %get3A_45] : memref<1x2048xi32, #tpu.memory_space<vmem>>, vector<1x2048xi32>
      %eq3A_47 = vector.broadcast %get3A_46 : vector<1x2048xi32> to vector<64x2048xi32>
      %eq3A_48 = arith.cmpi eq, %eq3A_47, %add3A_43 : vector<64x2048xi32>
      %convert_element_type3A_49 = arith.extui %eq3A_48 : vector<64x2048xi1> to vector<64x2048xi32>
      %convert_element_type3A_50 = arith.sitofp %convert_element_type3A_49 : vector<64x2048xi32> to vector<64x2048xf32>
      %convert_element_type3A_51 = arith.truncf %convert_element_type3A_50 : vector<64x2048xf32> to vector<64x2048xbf16>
      %get3A_52 = arith.constant 128 : index
      %get3A_53 = arith.constant 0 : index
      %get3A_54 = vector.load %arg3[%get3A_52, %get3A_53] : memref<256x128xf32, #tpu.memory_space<vmem>>, vector<64x128xf32>
      %dot_general3A = arith.constant dense<0.000000e+00> : vector<64x128xf32>
      %dot_general3A_55 = tpu.matmul %convert_element_type3A_51, %convert_element_type3A_12, %dot_general3A {dimension_numbers = #tpu.dot_dimension_numbers<[1], [0], [0], [1], [0, 0, 1, 1], [], []>, transpose_lhs_hint = false} : vector<64x2048xbf16>, vector<2048x128xbf16>, vector<64x128xf32> -> vector<64x128xf32>
      %add3A_56 = arith.addf %get3A_54, %dot_general3A_55 : vector<64x128xf32>
      %swap3A = arith.constant 128 : index
      %swap3A_57 = arith.constant 0 : index
      %swap3A_58 = vector.load %arg3[%swap3A, %swap3A_57] : memref<256x128xf32, #tpu.memory_space<vmem>>, vector<64x128xf32>
      tpu.vector_store %arg3[%swap3A, %swap3A_57], %add3A_56 {strides = array<i32>} : memref<256x128xf32, #tpu.memory_space<vmem>>, vector<64x128xf32>,
    } else {
    }
    %ge3A_34 = arith.constant 192 : i32
    %ge3A_35 = arith.cmpi sge, %get3A_8, %ge3A_34 : i32
    %lt3A_36 = arith.constant 256 : i32
    %lt3A_37 = arith.cmpi slt, %get3A_4, %lt3A_36 : i32
    %and3A_38 = arith.andi %ge3A_35, %lt3A_37 : i1
    %convert_element_type3A_39 = arith.extui %and3A_38 : i1 to i32
    %cond3A_40 = arith.constant 0 : i32
    %cond3A_41 = arith.cmpi ne, %convert_element_type3A_39, %cond3A_40 : i32
    scf.if %cond3A_41 {
      %iota3A = tpu.iota {dimensions = array<i32: 0>} : vector<64x2048xi32>
      %add3A = arith.constant 192 : i32
      %add3A_42 = vector.broadcast %add3A : i32 to vector<64x2048xi32>
      %add3A_43 = arith.addi %iota3A, %add3A_42 : vector<64x2048xi32>
      %get3A_44 = arith.constant 0 : index
      %get3A_45 = arith.constant 0 : index
      %get3A_46 = vector.load %arg1[%get3A_44, %get3A_45] : memref<1x2048xi32, #tpu.memory_space<vmem>>, vector<1x2048xi32>
      %eq3A_47 = vector.broadcast %get3A_46 : vector<1x2048xi32> to vector<64x2048xi32>
      %eq3A_48 = arith.cmpi eq, %eq3A_47, %add3A_43 : vector<64x2048xi32>
      %convert_element_type3A_49 = arith.extui %eq3A_48 : vector<64x2048xi1> to vector<64x2048xi32>
      %convert_element_type3A_50 = arith.sitofp %convert_element_type3A_49 : vector<64x2048xi32> to vector<64x2048xf32>
      %convert_element_type3A_51 = arith.truncf %convert_element_type3A_50 : vector<64x2048xf32> to vector<64x2048xbf16>
      %get3A_52 = arith.constant 192 : index
      %get3A_53 = arith.constant 0 : index
      %get3A_54 = vector.load %arg3[%get3A_52, %get3A_53] : memref<256x128xf32, #tpu.memory_space<vmem>>, vector<64x128xf32>
      %dot_general3A = arith.constant dense<0.000000e+00> : vector<64x128xf32>
      %dot_general3A_55 = tpu.matmul %convert_element_type3A_51, %convert_element_type3A_12, %dot_general3A {dimension_numbers = #tpu.dot_dimension_numbers<[1], [0], [0], [1], [0, 0, 1, 1], [], []>, transpose_lhs_hint = false} : vector<64x2048xbf16>, vector<2048x128xbf16>, vector<64x128xf32> -> vector<64x128xf32>
      %add3A_56 = arith.addf %get3A_54, %dot_general3A_55 : vector<64x128xf32>
      %swap3A = arith.constant 192 : index
      %swap3A_57 = arith.constant 0 : index
      %swap3A_58 = vector.load %arg3[%swap3A, %swap3A_57] : memref<256x128xf32, #tpu.memory_space<vmem>>, vector<64x128xf32>
      tpu.vector_store %arg3[%swap3A, %swap3A_57], %add3A_56 {strides = array<i32>} : memref<256x128xf32, #tpu.memory_space<vmem>>, vector<64x128xf32>,
    } else {
    }
    return
  }
  func.func @transform_0(%arg0: i32) -> (i32, i32) {
    %c0_i32 = arith.constant 0 : i32
    %c0_i32_0 = arith.constant 0 : i32
    return %c0_i32, %arg0 : i32, i32
  }
  func.func @transform_1(%arg0: i32) -> (i32, i32) {
    %c0_i32 = arith.constant 0 : i32
    %c0_i32_0 = arith.constant 0 : i32
    return %arg0, %c0_i32 : i32, i32
  }
  func.func @transform_2(%arg0: i32) -> (i32, i32) {
    %c0_i32 = arith.constant 0 : i32
    %c0_i32_0 = arith.constant 0 : i32
    %c0_i32_1 = arith.constant 0 : i32
    return %c0_i32, %c0_i32_0 : i32, i32
  }
}

module attributes {stable_mosaic.version = 14 : i64} {
  func.func @mlp(%arg0: memref<2x256x128xf32, #tpu.memory_space<vmem>>, %arg1: memref<256x128xf32, #tpu.memory_space<vmem>>, %arg2: memref<128x128xf32, #tpu.memory_space<vmem>>, %arg3: memref<1x128xf32, #tpu.memory_space<vmem>>, %arg4: memref<128x128xf32, #tpu.memory_space<vmem>>, %arg5: memref<1x128xf32, #tpu.memory_space<vmem>>, %arg6: memref<256x128xf32, #tpu.memory_space<vmem>>) attributes {dimension_semantics = [], scalar_prefetch = 0 : i64, scratch_operands = 0 : i64, tpu.core_type = #tpu.core_type<tc>} {
    %get3A = arith.constant 0 : index
    %get3A_0 = arith.constant 0 : index
    %get3A_1 = arith.constant 0 : index
    %get3A_2 = vector.load %arg0[%get3A, %get3A_0, %get3A_1] : memref<2x256x128xf32, #tpu.memory_space<vmem>>, vector<1x256x128xf32>
    %get3A_3 = vector.shape_cast %get3A_2 : vector<1x256x128xf32> to vector<256x128xf32>
    %get3A_4 = arith.constant 1 : index
    %get3A_5 = arith.constant 0 : index
    %get3A_6 = arith.constant 0 : index
    %get3A_7 = vector.load %arg0[%get3A_4, %get3A_5, %get3A_6] : memref<2x256x128xf32, #tpu.memory_space<vmem>>, vector<1x256x128xf32>
    %get3A_8 = vector.shape_cast %get3A_7 : vector<1x256x128xf32> to vector<256x128xf32>
    %add3A = arith.addf %get3A_3, %get3A_8 : vector<256x128xf32>
    %get3A_9 = arith.constant 0 : index
    %get3A_10 = arith.constant 0 : index
    %get3A_11 = vector.load %arg1[%get3A_9, %get3A_10] : memref<256x128xf32, #tpu.memory_space<vmem>>, vector<256x128xf32>
    %add3A_12 = arith.addf %add3A, %get3A_11 : vector<256x128xf32>
    %get3A_13 = arith.constant 0 : index
    %get3A_14 = arith.constant 0 : index
    %get3A_15 = vector.load %arg2[%get3A_13, %get3A_14] : memref<128x128xf32, #tpu.memory_space<vmem>>, vector<128x128xf32>
    %dot_general3A = arith.constant dense<0.000000e+00> : vector<256x128xf32>
    %dot_general3A_16 = tpu.matmul %add3A_12, %get3A_15, %dot_general3A {dimension_numbers = #tpu.dot_dimension_numbers<[1], [0], [0], [1], [0, 0, 1, 1], [], []>, transpose_lhs_hint = false} : vector<256x128xf32>, vector<128x128xf32>, vector<256x128xf32> -> vector<256x128xf32>
    %get3A_17 = arith.constant 0 : index
    %get3A_18 = arith.constant 0 : index
    %get3A_19 = vector.load %arg3[%get3A_17, %get3A_18] : memref<1x128xf32, #tpu.memory_space<vmem>>, vector<1x128xf32>
    %add3A_20 = vector.broadcast %get3A_19 : vector<1x128xf32> to vector<256x128xf32>
    %add3A_21 = arith.addf %dot_general3A_16, %add3A_20 : vector<256x128xf32>
    %max3A = arith.constant 0.000000e+00 : f32
    %max3A_22 = vector.broadcast %max3A : f32 to vector<256x128xf32>
    %max3A_23 = arith.maximumf %add3A_21, %max3A_22 : vector<256x128xf32>
    %get3A_24 = arith.constant 0 : index
    %get3A_25 = arith.constant 0 : index
    %get3A_26 = vector.load %arg4[%get3A_24, %get3A_25] : memref<128x128xf32, #tpu.memory_space<vmem>>, vector<128x128xf32>
    %dot_general3A_27 = arith.constant dense<0.000000e+00> : vector<256x128xf32>
    %dot_general3A_28 = tpu.matmul %max3A_23, %get3A_26, %dot_general3A_27 {dimension_numbers = #tpu.dot_dimension_numbers<[1], [0], [0], [1], [0, 0, 1, 1], [], []>, transpose_lhs_hint = false} : vector<256x128xf32>, vector<128x128xf32>, vector<256x128xf32> -> vector<256x128xf32>
    %get3A_29 = arith.constant 0 : index
    %get3A_30 = arith.constant 0 : index
    %get3A_31 = vector.load %arg5[%get3A_29, %get3A_30] : memref<1x128xf32, #tpu.memory_space<vmem>>, vector<1x128xf32>
    %add3A_32 = vector.broadcast %get3A_31 : vector<1x128xf32> to vector<256x128xf32>
    %add3A_33 = arith.addf %dot_general3A_28, %add3A_32 : vector<256x128xf32>
    %swap3A = arith.constant 0 : index
    %swap3A_34 = arith.constant 0 : index
    %swap3A_35 = vector.load %arg6[%swap3A, %swap3A_34] : memref<256x128xf32, #tpu.memory_space<vmem>>, vector<256x128xf32>
    tpu.vector_store %arg6[%swap3A, %swap3A_34], %add3A_33 {strides = array<i32>} : memref<256x128xf32, #tpu.memory_space<vmem>>, vector<256x128xf32>,
    return
  }
}

</mosaic_0001>

<sc_bundles>
// kernel: kernel.5.cloned.1.call-start
scs
__scs_entry_jumppad:
0x0: {  	(pc) =	sbr.rel $0x88, $3  }
0x1: {  	(tag) =	ssettag $0x0;
	lr =	simm.s32 $0x1  }
0x2: {  	[smem:$0x3F9A] =	sst lr;
	_ =	strace $0xD0000000  }
0x3: {  	_ = 	snop  }
0x4: {  	_ = 	snop  }
0x5: {  	_ = 	snop  }
0x6: {  	_ = 	snop  }
0x7: {  	_ = 	snop  }
__scs_overlays_trampoline_lowered:
0x8: {  	[smem:$0x3FA9] =	sst s0  }
0x9: {  	[smem:$0x3FAA] =	sst s1  }
0xa: {  	[smem:$0x3FAB] =	sst s2  }
0xb: {  	[smem:$0x3FAC] =	sst s3  }
0xc: {  	[smem:$0x3FAD] =	sst s4  }
0xd: {  	[smem:$0x3FAE] =	sst s5  }
0xe: {  	[smem:$0x3FAF] =	sst s6  }
0xf: {  	[smem:$0x3FB0] =	sst s7  }
0x10: {  	[smem:$0x3FB1] =	sst s8  }
0x11: {  	[smem:$0x3FB2] =	sst s9;
	s0 =	simm.s32 @!p0 $0x0  }
0x12: {  	s1 =	sld [smem:$0x3F98];
	s0 =	simm.s32 @p0 $0x1  }
0x13: {  	[smem:$0x3FB3] =	sst s0;
	s0 =	simm.s32 @!p1 $0x0  }
0x14: {  	s2 =	sld [smem:$0x3F97];
	s0 =	simm.s32 @p1 $0x1  }
0x15: {  	[smem:$0x3FB4] =	sst s0;
	s0 =	simm.s32 @!p2 $0x0  }
0x16: {  	s3 =	sld [smem:$0x3FDB];
	s0 =	simm.s32 @p2 $0x1  }
0x17: {  	s4 =	simm.s32 $0x1BF5;
	[smem:$0x3FB6] =	sst s0  }
0x18: {  	s0 =	sld [smem:$0x3F99];
	_ =	swait.ge [sflag:s4], $0x0  }
0x19: {  	s7 =	sld [smem:$0x3F9A]  }
0x1a: {  	s8 =	sadd.s32 $0xFFFFE003, lr  }
0x1b: {  	s9 =	sadd.s32 $0xFFFFFEF7, lr;
	s5 =	simm.s32 $0xFFFFFFFF;
	p2 =	slt.u32 s8, $0xFFFFF086  }
0x1c: {  	p1 =	slt.u32 s9, $0xF7A;
	s5 =	simm.s32 @!p2 $0x0  }
0x1d: {  	s5 =	simm.s32 @p1 $0x1;
	p0 =	seq.s32 s7, s2  }
0x1e: {  	s7 =	smul.u32 @!p0 $0xF7A, s2;
	p2 =	seq.s32 @!p0 s5, $0x0  }
0x1f: {  	s9 =	smul.u32 $0xF7A, s1;
	s8 =	simm.s32 @!p0 $0x1BF5;
	p2 =	por !p2, p0  }
0x20: {  	[sflag:s8] =	ssyncset.s32 @!p0 $0xFFFFF086;
	s6 =	sadd.s32 @!p0 s3, s7;
	s7 =	simm.s32 @!p0 $0x108  }
0x21: {  	s3 =	sadd.s32 s3, s9;
	s6 =	sadd.s32 @!p0 $0x88, s6;
	s7 =	simm.s32 @p2 $0x1082  }
0x22: {  	[simem:s7], [sflag:s8] =	dma.local @!p0 [hbm:s6], $0xF7A  }
0x23: {  	s9 =	sor.u32 $0xD0000000, s2;
	s6 =	simm.s32 $0x108;
	_ =	swait.ge @!p0 [sflag:s8], $0x0  }
0x24: {  	s3 =	sadd.s32 $0x88, s3;
	s6 =	simm.s32 @!p1 $0x1082;
	[sflag:s4] =	ssyncset.s32 $0xFFFFF086  }
0x25: {  	[simem:s6], [sflag:s4] =	dma.local [hbm:s3], $0xF7A  }
0x26: {  	[smem:$0x3F9A] =	sst s1;
	(tag) =	ssettag s2;
	_ =	strace s9  }
0x27: {  	s1 =	sld [smem:$0x3FAA]  }
0x28: {  	s2 =	sld [smem:$0x3FAB]  }
0x29: {  	s4 =	sld [smem:$0x3FAD]  }
0x2a: {  	p0 =	seq.s32 s5, $0x0;
	s5 =	sld [smem:$0x3FAE]  }
0x2b: {  	s6 =	sld [smem:$0x3FAF]  }
0x2c: {  	s7 =	sld [smem:$0x3FB0]  }
0x2d: {  	s3 =	simm.s32 $0x108;
	s8 =	sld [smem:$0x3FB1]  }
0x2e: {  	s3 =	simm.s32 @!p0 $0x1082;
	s9 =	sld [smem:$0x3FB2]  }
0x2f: {  	lr =	sadd.s32 s0, s3;
	s0 =	sld [smem:$0x3FA9]  }
0x30: {  	s3 =	sld [smem:$0x3FAC]  }
0x31: {  	[smem:$0x3FB5] =	sst s10  }
0x32: {  	s10 =	sld [smem:$0x3FB3];
	_ =	sdelay $0x3  }
0x33: {  	p0 =	seq.s32 s10, $0x1;
	s10 =	sld [smem:$0x3FB5];
	_ =	sdelay $0x3  }
0x34: {  	[smem:$0x3FB5] =	sst s10  }
0x35: {  	s10 =	sld [smem:$0x3FB4];
	_ =	sdelay $0x3  }
0x36: {  	p1 =	seq.s32 s10, $0x1;
	s10 =	sld [smem:$0x3FB5];
	_ =	sdelay $0x3  }
0x37: {  	[smem:$0x3FB5] =	sst s10  }
0x38: {  	s10 =	sld [smem:$0x3FB6]  }
0x39: {  	_ = 	snop;
	(pc) =	sbr.ind lr, $3  }
0x3a: {  	_ = 	snop  }
0x3b: {  	_ = 	snop  }
0x3c: {  	p2 =	seq.s32 s10, $0x1;
	s10 =	sld [smem:$0x3FB5]  }
0x3d: {  	_ =	shalt  }
0x3e: {  	_ =	shalt  }
0x3f: {  	_ =	shalt  }
0x40: {  	_ =	shalt  }
0x41: {  	_ =	shalt  }
0x42: {  	_ =	shalt  }
0x43: {  	_ =	shalt  }
0x44: {  	_ =	shalt  }
0x45: {  	_ =	shalt  }
0x46: {  	_ =	shalt  }
0x47: {  	_ =	shalt  }
0x48: {  	_ =	shalt  }
0x49: {  	_ =	shalt  }
0x4a: {  	_ =	shalt  }
0x4b: {  	_ =	shalt  }
0x4c: {  	_ =	shalt  }
0x4d: {  	_ =	shalt  }
0x4e: {  	_ =	shalt  }
0x4f: {  	_ =	shalt  }
0x50: {  	_ =	shalt  }
0x51: {  	_ =	shalt  }
0x52: {  	_ =	shalt  }
0x53: {  	_ =	shalt  }
0x54: {  	_ =	shalt  }
0x55: {  	_ =	shalt  }
0x56: {  	_ =	shalt  }
0x57: {  	_ =	shalt  }
0x58: {  	_ =	shalt  }
0x59: {  	_ =	shalt  }
0x5a: {  	_ =	shalt  }
0x5b: {  	_ =	shalt  }
0x5c: {  	_ =	shalt  }
0x5d: {  	_ =	shalt  }
0x5e: {  	_ =	shalt  }
0x5f: {  	_ =	shalt  }
0x60: {  	_ =	shalt  }
0x61: {  	_ =	shalt  }
0x62: {  	_ =	shalt  }
0x63: {  	_ =	shalt  }
0x64: {  	_ =	shalt  }
0x65: {  	_ =	shalt  }
0x66: {  	_ =	shalt  }
0x67: {  	_ =	shalt  }
0x68: {  	_ =	shalt  }
0x69: {  	_ =	shalt  }
0x6a: {  	_ =	shalt  }
0x6b: {  	_ =	shalt  }
0x6c: {  	_ =	shalt  }
0x6d: {  	_ =	shalt  }
0x6e: {  	_ =	shalt  }
0x6f: {  	_ =	shalt  }
0x70: {  	_ =	shalt  }
0x71: {  	_ =	shalt  }
0x72: {  	_ =	shalt  }
0x73: {  	_ =	shalt  }
0x74: {  	_ =	shalt  }
0x75: {  	_ =	shalt  }
0x76: {  	_ =	shalt  }
0x77: {  	_ =	shalt  }
0x78: {  	_ =	shalt  }
0x79: {  	_ =	shalt  }
0x7a: {  	_ =	shalt  }
0x7b: {  	_ =	shalt  }
0x7c: {  	_ =	shalt  }
0x7d: {  	_ =	shalt  }
0x7e: {  	_ =	shalt  }
0x7f: {  	_ =	shalt  }
0x80: {  	_ =	shalt  }
0x81: {  	_ =	shalt  }
0x82: {  	_ =	shalt  }
0x83: {  	_ =	shalt  }
0x84: {  	_ =	shalt  }
0x85: {  	_ =	shalt  }
0x86: {  	_ =	shalt  }
0x87: {  	_ =	shalt  }
.Lfunc_end0:
.L_simem_size_0:
called_computation_lowered:
.L_overlay_start_0:
0x88: {  	s2 =	sld [smem:$0x3FD9]  }
0x89: {  	s3 =	sld [smem:$0x3FFE];
	_ =	sdelay $0x1  }
0x8a: {  	s1 =	srdreg.scid  }
0x8b: {  	s0 =	sand.u32 $0x1, s1  }
0x8c: {  	s17 =	sshll.u32 s0, $0xA;
	s2 =	sadd.s32 s3, s2  }
0x8d: {  	s2 =	sadd.s32 s2, s17  }
0x8e: {  	[smem:$0x3FC1] =	sst s2  }
0x8f: {  	_ = 	snop  }
0x90: {  	s2 =	sld [smem:$0x3FC9]  }
0x91: {  	s18 =	sld [smem:$0x3FC8];
	(tm) =	ssettm $0x1  }
0x92: {  	s4 =	sld [smem:$0x3FFB];
	_ =	sdelay $0x3  }
0x93: {  	_ =	strace s4  }
0x94: {  	s4 =	sld [smem:$0x3FFC];
	_ =	sdelay $0x3  }
0x95: {  	_ =	strace s4  }
0x96: {  	s4 =	sld [smem:$0x3FFD];
	_ =	sdelay $0x3  }
0x97: {  	_ =	strace s4  }
0x98: {  	_ =	strace $0x8FFFFFFF  }
0x99: {  	s19 =	sld [smem:$0x3FDB];
	_ =	sdelay $0x1  }
0x9a: {  	s5 =	simm.s32 $_scs_section_size  }
0x9b: {  	s6 =	simm.s32 $_size__tile_overlayer_lowered;
	s7 =	simm.s32 $_tile_overlayer_lowered  }
0x9c: {  	s22 =	simm.s32 $0x1BFF;
	s21 =	sshll.u32 s7, $0x1;
	s4 =	sadd.s32 s5, s19  }
0x9d: {  	s8 =	simm.s32 $0x0;
	s20 =	sshll.u32 s6, $0x1;
	s6 =	sadd.s32 s21, s4  }
0x9e: {  	[timem:s8], [sflag:s22] =	dma.local [hbm:s6], s20  }
0x9f: {  	_ =	swait.ge [sflag:s22], s20  }
0xa0: {  	s5 =	ssub.s32 $0x0, s20;
	[sflag:s22] =	ssyncset.done $0x0  }
0xa1: {  	[sflag:s22] =	ssyncadd.s32 s5;
	_ =	sdelay $0x1  }
0xa2: {  	s23 =	simm.s32 $0x1B8B  }
0xa3: {  	_ =	swait.ge [sflag:s23], $0x1  }
0xa4: {  	[sflag:s23] =	ssyncset.done $0x0  }
0xa5: {  	s25 =	simm.s32 $0x1B8E;
	s24 =	sld [smem:$0x3FFE];
	[sflag:s23] =	ssyncadd.s32 $0xFFFFFFFF  }
0xa6: {  	s26 =	simm.s32 $execute0_lowered;
	[smem:$0x3FD2] =	sst s25  }
0xa7: {  	s6 =	sshll.u32 s26, $0x1;
	_ =	strace $0x80000046;
	[dreg:$0x1] =	wrdreg $0xFFFFFFFF  }
0xa8: {  	s28 =	simm.s32 $_size_execute0_lowered;
	s4 =	sadd.s32 s4, s6;
	[dreg:$0x0] =	wrdreg $0x0  }
0xa9: {  	s6 =	sshll.u32 s28, $0x1;
	[dreg:$0x2] =	wrdreg s4  }
0xaa: {  	[dreg:$0x3] =	wrdreg s6  }
0xab: {  	[dreg:$0x4] =	wrdreg $0xC0  }
0xac: {  	_ =	task [dreg:s8], $0x5FFFF  }
0xad: {  	[dreg:$0x1] =	wrdreg $0xFFFFFFFF  }
0xae: {  	[dreg:$0x0] =	wrdreg $0x60  }
0xaf: {  	[dreg:$0x2] =	wrdreg s2  }
0xb0: {  	[dreg:$0x3] =	wrdreg s18  }
0xb1: {  	[dreg:$0x4] =	wrdreg s24  }
0xb2: {  	[dreg:$0x5] =	wrdreg $0x89000  }
0xb3: {  	[dreg:$0x6] =	wrdreg $0x9  }
0xb4: {  	_ =	task.clear_ibuf [dreg:s8], $0x7FFFF;
	_ =	strace $0x90000046  }
0xb5: {  	s29 =	simm.s32 $0x9;
	_ =	strace $0x80000048  }
0xb6: {  	_ =	swait.ge [sflag:s29], $0x1  }
0xb7: {  	[sflag:s29] =	ssyncadd.s32 $0xFFFFFFFF  }
0xb8: {  	_ =	strace $0x90000048  }
0xb9: {  	_ =	sfence  }
0xba: {  	s30 =	sld [smem:$0x0];
	_ =	sdelay $0x2  }
0xbb: {  	s31 =	sshll.u32 s1, $0xD;
	s1 =	sshrl.u32 s1, $0x2  }
0xbc: {  	s3 =	sand.u32 $0x4000, s31;
	s1 =	sadd.s32 s1, s30  }
0xbd: {  	s0 =	sor.u32 s3, s0;
	s1 =	sshll.u32 s1, $0x11  }
0xbe: {  	s0 =	sor.u32 s1, s0  }
0xbf: {  	s0 =	sadd.s32 $0x8F2B, s0  }
0xc0: {  	[sflag:s0] =	ssyncadd.remote.s32 $0x1  }
0xc1: {  	_ =	sfence.sel $0xFFFF  }
0xc2: {  	[dreg:$0x0] =	wrdreg $0xFFFFFFFF;
	(pc) =	sbr.abs _section_cstart, $3  }
0xc3: {  	[dreg:$0x1] =	wrdreg $0xFFFFFFFF  }
0xc4: {  	_ =	task.clear_ibuf [dreg:s8], $0x2FFFF;
	_ =	strace $0x9FFFFFFF  }
0xc5: {  	(tm) =	ssettm $0x7FFFFFFF  }
tec
execute0_lowered:
.L_overlay_start_1:
0x0: {  	(tag) =	ssettag $0x1  }
0x1: {  	s0 =	rddreg [dreg:$0x0]  }
0x2: {  	s1 =	rddreg [dreg:$0x1]  }
0x3: {  	s2 =	srdreg.scid;
	s5 =	rddreg [dreg:$0x2]  }
0x4: {  	s18 =	stileid.u32;
	s3 =	rddreg [dreg:$0x3]  }
0x5: {  	s4 =	simm.s32 $0x0;
	s16 =	simm.s32 $0x7;
	s17 =	simm.s32 $0x80  }
0x6: {  	s19 =	simm.s32 $0x6;
	s9 =	sand.u32 $0x1, s2;
	s2 =	rddreg [dreg:$0x4]  }
0x7: {  	s24 =	sshll.u32 s18, $0x1;
	[smem:$0x7FF] =	sst s4;
	s13 =	smul.u32 $0x18, s18  }
0x8: {  	p0 =	sgt.u32 s18, $0x6;
	s28 =	sshll.u32 s18, $0xB;
	s30 =	smul.u32 $0xC00, s18  }
0x9: {  	s6 =	sor.u32 s9, s24;
	_ =	strace $0x80000047;
	s14 =	smul.u32 $0xC, s9  }
0xa: {  	s25 =	ssub.s32 $0x2, s9;
	s8 =	sshll.u32 s9, $0xC;
	s15 =	smul.u32 $0x600, s9  }
0xb: {  	s7 =	smul.u32 $0xC, s6;
	s12 =	smin.u32 s6, $0xE;
	s10 =	sshrl.u32 s25, $0x1  }
0xc: {  	s11 =	sadd.s32 s8, s5;
	s5 =	simm.s32 $0xC;
	s8 =	sadd.s32 s28, s3  }
0xd: {  	s10 =	ssub.s32 s25, s10;
	s5 =	simm.s32 @!p0 $0xD;
	s9 =	sadd.s32 $0x1000, s11  }
0xe: {  	s29 =	sadd.s32 s13, s12;
	s31 =	sshll.u32 s12, $0x7;
	p0 =	sne.s32 s18, $0x0  }
.Ltmp0:
0xf: {  	s18 =	simm.s32 $0x5;
	s7 =	sadd.s32 s12, s7;
	(pc) =	sbr.rel .LBB2_1-.Ltmp0, $4  }
0x10: {  	s10 =	smax.u32 s10, $0x1;
	s11 =	sadd.s32 s14, s29;
	s7 =	sshll.u32 s7, $0x7  }
0x11: {  	s12 =	sor.u32 $0xC000, s15;
	s13 =	sadd.s32 s31, s30;
	s7 =	sadd.s32 $0xC000, s7  }
0x12: {  	s14 =	simm.s32 $0x8000;
	s26 =	sshll.u32 s7, $0x4;
	s7 =	sshrl.u32 s7, $0x3  }
0x13: {  	v0 =	vimm.f32 $0.0e+00;
	s15 =	simm.s32 $0x8100;
	s6 =	sadd.s32 s0, s26;
	s7 =	sadd.s32 s1, s7  }
.LBB2_8:
0x14: {  	_ =	swait.ge [sflag:s18], $0x4000  }
0x15: {  	[sflag:s18] =	ssyncset.done $0x0  }
0x16: {  	[sflag:s18] =	ssyncadd.s32 $0xFFFFC000  }
0x17: {  	_ =	swait.ge [sflag:s19], $0x4000  }
0x18: {  	[sflag:s19] =	ssyncset.done $0x0  }
0x19: {  	s20 =	sshrl.u32 @!p0 s3, $0x3;
	s4 =	sadd.s32 $0x1, s4;
	[sflag:s19] =	ssyncadd.s32 $0xFFFFC000  }
0x1a: {  	s21 =	simm.s32 @!p0 $0x1C07;
	p1 =	sne.s32 s4, s10;
	[bflag:$0x0] =	sbarrier.arrive $0xFFFF  }
0x1b: {  	[hbm:s9], [sflag:s21] =	dma.local @!p0 [spmem:s20], $0x1000  }
.Ltmp1:
0x1c: {  	_ = 	snop;
	(pc) =	sbr.rel @!p1 .LBB2_9-.Ltmp1, $4  }
0x1d: {  	s20 =	simm.s32 @!p0 $0x7  }
0x1e: {  	_ =	swait.ge @!p0 [sflag:s20], $0x1000  }
0x1f: {  	[sflag:s20] =	ssyncset.done @!p0 $0x0  }
0x20: {  	[sflag:s20] =	ssyncadd.s32 @!p0 $0xFFFFF000  }
.LBB2_1:
0x21: {  	s20 =	simm.s32 $0x0;
	s21 =	simm.s32 $0x200  }
.LBB2_2:
0x22: {  	p1 =	sne.s32 s21, $0x1E00;
	[tilespmem:s20+$0x8170] =	vst v0  }
0x23: {  	[tilespmem:s20+$0x8100] =	vst v0  }
0x24: {  	[tilespmem:s20+$0x8110] =	vst v0  }
.Ltmp2:
0x25: {  	[tilespmem:s20+$0x8120] =	vst v0;
	(pc) =	sbr.rel @p1 .LBB2_2-.Ltmp2, $4  }
0x26: {  	[tilespmem:s20+$0x8130] =	vst v0  }
0x27: {  	[tilespmem:s20+$0x8140] =	vst v0  }
0x28: {  	[tilespmem:s20+$0x8150] =	vst v0  }
0x29: {  	[tilespmem:s20+$0x8160] =	vst v0;
	s20 =	sshra.s32 s21, $0x2;
	s21 =	sadd.s32 $0x200, s21  }
0x2a: {  	[tilespmem:s20+$0x8170] =	vst v0  }
0x2b: {  	[tilespmem:s20+$0x8100] =	vst v0  }
0x2c: {  	[tilespmem:s20+$0x8110] =	vst v0  }
0x2d: {  	[tilespmem:s20+$0x8120] =	vst v0  }
0x2e: {  	[tilespmem:s20+$0x8130] =	vst v0  }
0x2f: {  	[tilespmem:s20+$0x8140] =	vst v0  }
0x30: {  	[tilespmem:s20+$0x8150] =	vst v0  }
0x31: {  	[tilespmem:s20+$0x8160] =	vst v0;
	s20 =	simm.s32 $0x0  }
0x32: {  	[tilespmem:s20], [sflag:$0x1] =	stream.linear.gather [hbm4b:s6+s20], $0x4000, $0x38;
	[tilespmem:$0x9140] =	vst v63  }
0x33: {  	_ = 	snop  }
0x34: {  	[tilespmem:s14], [sflag:$0x3] =	stream.linear.gather [hbm4b:s7+s20], $0x80, $0x38;
	[tilespmem:$0x9140] =	vst v63  }
0x35: {  	_ = 	snop  }
0x36: {  	[spmem:s8] =	stream.linear.scatter [tilespmem:s15], [sflag:$0x7], $0x800, $0x38;
	[tilespmem:$0x9140] =	vst v63  }
.Ltmp3:
0x37: {  	_ =	swait.ge [sflag:s16], $0x800;
	(pc) =	sbr.rel .LBB2_4-.Ltmp3, $4  }
0x38: {  	[sflag:s16] =	ssyncset.done $0x0  }
0x39: {  	[sflag:s16] =	ssyncadd.s32 $0xFFFFF800  }
0x3a: {  	[bflag:$0x0] =	sbarrier.arrive $0xFFFF  }
0x3b: {  	s21 =	simm.s32 $0x1;
	s22 =	smov.u32 s13  }
.LBB2_6:
0x3c: {  	s23 =	sand.u32 $0x1, s23  }
0x3d: {  	s24 =	sadd.s32 $0x1, s23  }
0x3e: {  	_ =	swait.ge [sflag:s24], $0x4000  }
0x3f: {  	[sflag:s24] =	ssyncset.done $0x0  }
0x40: {  	s25 =	sadd.s32 $0x3, s23;
	[sflag:s24] =	ssyncadd.s32 $0xFFFFC000  }
0x41: {  	s30 =	sadd.s32 s21, s11;
	_ =	swait.ge [sflag:s25], $0x80  }
0x42: {  	s26 =	sadd.s32 $0xFFFFFFFF, s30;
	[sflag:s25] =	ssyncset.done $0x0  }
0x43: {  	p1 =	slt.u32 s26, $0x18D;
	s24 =	sshll.u32 s23, $0x7;
	[sflag:s25] =	ssyncadd.s32 $0xFFFFFF80  }
0x44: {  	v1 =	vld @!p1 [tilespmem:s24+$0x8000]  }
0x45: {  	v2 =	vld @!p1 [tilespmem:s24+$0x8010]  }
0x46: {  	v3 =	vlaneseq.u32 @!p1;
	s25 =	sadd.s32 @!p1 s22, s12;
	v4 =	vld @!p1 [tilespmem:s24+$0x8020]  }
0x47: {  	v6 =	vadd.s32 @!p1 $0x18621, v3;
	v5 =	vmov @!p1 s25;
	v7 =	vld @!p1 [tilespmem:s24+$0x8030]  }
0x48: {  	v8 =	vld @!p1 [tilespmem:s24+$0x8040];
	vm0 =	vlt.u32 @!p1 v5, v6;
	v6 =	vadd.s32 @!p1 $0x18631, v3  }
0x49: {  	v9 =	vld @!p1 [tilespmem:s24+$0x8050];
	v1 =	vnsel @!p1 vm0, $0x100, v1;
	vm0 =	vlt.u32 @!p1 v5, v6;
	v6 =	vadd.s32 @!p1 $0x18641, v3  }
0x4a: {  	[tilespmem:s24+$0x8000] =	vst @!p1 v1;
	v1 =	vnsel @!p1 vm0, $0x100, v2;
	vm0 =	vlt.u32 @!p1 v5, v6;
	v2 =	vadd.s32 @!p1 $0x18651, v3;
	v6 =	vld @!p1 [tilespmem:s24+$0x8060]  }
0x4b: {  	[tilespmem:s24+$0x8010] =	vst @!p1 v1;
	v1 =	vnsel @!p1 vm0, $0x100, v4;
	vm0 =	vlt.u32 @!p1 v5, v2;
	v2 =	vadd.s32 @!p1 $0x18661, v3;
	v4 =	vld @!p1 [tilespmem:s24+$0x8070]  }
0x4c: {  	[tilespmem:s24+$0x8020] =	vst @!p1 v1;
	v1 =	vnsel @!p1 vm0, $0x100, v7;
	vm0 =	vlt.u32 @!p1 v5, v2;
	v2 =	vadd.s32 @!p1 $0x18671, v3  }
0x4d: {  	p2 =	sge.u32 s21, s5;
	[tilespmem:s24+$0x8030] =	vst @!p1 v1;
	v1 =	vnsel @!p1 vm0, $0x100, v8;
	vm0 =	vlt.u32 @!p1 v5, v2;
	v2 =	vadd.s32 @!p1 $0x18681, v3  }
0x4e: {  	s25 =	sadd.s32 @!p2 s22, s12;
	[tilespmem:s24+$0x8040] =	vst @!p1 v1;
	v1 =	vnsel @!p1 vm0, $0x100, v9;
	vm0 =	vlt.u32 @!p1 v5, v2;
	v2 =	vadd.s32 @!p1 $0x18691, v3  }
0x4f: {  	s25 =	sadd.s32 @!p2 $0xFFFF4080, s25;
	[tilespmem:s24+$0x8050] =	vst @!p1 v1;
	v1 =	vnsel @!p1 vm0, $0x100, v6;
	vm0 =	vlt.u32 @!p1 v5, v2  }
0x50: {  	p3 =	seq.s32 @!p2 s21, $0x1;
	p4 =	slt.s32 @!p2 s25, $0xC620;
	[tilespmem:s24+$0x8060] =	vst @!p1 v1;
	v1 =	vnsel @!p1 vm0, $0x100, v4  }
0x51: {  	s26 =	sand.u32 @!p2 $0x1, s21;
	p3 =	por p3, p2;
	[tilespmem:s24+$0x8070] =	vst @!p1 v1;
	p1 =	por !p4, p2  }
0x52: {  	s28 =	sadd.s32 @!p3 $0x5, s26;
	s25 =	simm.s32 @p1 $0xC620  }
0x53: {  	s31 =	simm.s32 @!p2 $0x0;
	_ =	swait.ge @!p3 [sflag:s28], $0x4000;
	s25 =	sadd.s32 @!p2 $0xC000, s25  }
0x54: {  	s30 =	sadd.s32 @!p2 $0x1, s26;
	[sflag:s28] =	ssyncset.done @!p3 $0x0;
	s29 =	sshll.u32 @!p2 s25, $0x4  }
0x55: {  	[sflag:s28] =	ssyncadd.s32 @!p3 $0xFFFFC000;
	s28 =	sshll.u32 @!p2 s26, $0xE;
	s29 =	sadd.s32 @!p2 s0, s29  }
0x56: {  	[tilespmem:s28], [sflag:s30] =	stream.linear.gather @!p2 [hbm4b:s29+s31], $0x4000, $0x38;
	[tilespmem:$0x9140] =	vst v63  }
0x57: {  	s20 =	sadd.s32 $0x1, s20;
	s25 =	sshrl.u32 @!p2 s25, $0x3;
	s28 =	sshll.u32 @!p2 s26, $0x7  }
0x58: {  	s25 =	sadd.s32 @!p2 s1, s25;
	s26 =	sadd.s32 @!p2 $0x3, s26;
	s28 =	sor.u32 @!p2 $0x8000, s28  }
0x59: {  	[tilespmem:s28], [sflag:s26] =	stream.linear.gather @!p2 [hbm4b:s25+s31], $0x80, $0x38;
	[tilespmem:$0x9140] =	vst v63  }
0x5a: {  	s24 =	sor.u32 $0x8000, s24;
	s31 =	sshll.u32 s23, $0xE;
	s23 =	sadd.s32 $0x5, s23  }
0x5b: {  	[spmem:s3] =	stream.indirect.scatter.add.f32 [tilespmem:s31], [sflag:s23], $0x80, s24, s17, $0xb8;
	[tilespmem:$0x9140] =	vst v63  }
.LBB2_7:
0x5c: {  	s21 =	sadd.s32 $0x1, s21  }
0x5d: {  	p1 =	sne.s32 s21, $0xE  }
.Ltmp4:
0x5e: {  	_ = 	snop;
	(pc) =	sbr.rel @!p1 .LBB2_8-.Ltmp4, $2  }
0x5f: {  	_ =	sdelay $0x2  }
0x60: {  	s22 =	sadd.s32 $0x80, s22  }
.LBB2_4:
0x61: {  	s23 =	sadd.s32 $0xFFFFFFFF, s21  }
0x62: {  	p1 =	slt.u32 s23, s5  }
.Ltmp5:
0x63: {  	_ = 	snop;
	(pc) =	sbr.rel @p1 .LBB2_6-.Ltmp5, $1  }
0x64: {  	_ =	sdelay $0x3  }
.Ltmp6:
0x65: {  	(pc) =	sbr.rel .LBB2_7-.Ltmp6, $2  }
0x66: {  	_ =	sdelay $0x2  }
0x67: {  	s20 =	sadd.s32 $0x1, s20  }
.LBB2_9:
0x68: {  	_ =	sfence.sel $0x180000  }
0x69: {  	[bflag:$0x0] =	sbarrier.arrive $0xFFFF  }
0x6a: {  	_ =	strace $0x90000047  }
0x6b: {  	s0 =	sadd.s32 @!p0 $0x100000, s2;
	[bflag:$0x2] =	sbarrier.arrive $0xFFFF  }
0x6c: {  	[sflag:s0] =	ssyncadd.tile.s32 @!p0 $0x1;
	_ =	shalt  }
.Lfunc_end2:
_tile_overlayer_lowered:
.L_overlay_start_2:
0x6d: {  	(tag) =	ssettag $0x2  }
0x6e: {  	s0 =	rddreg [dreg:$0x0];
	s2 =	stileid.u32  }
0x6f: {  	s1 =	rddreg [dreg:$0x1];
	p0 =	sne.s32 s2, $0x0  }
0x70: {  	s3 =	rddreg [dreg:$0x2];
	[bflag:$0x3] =	sbarrier.arrive $0xFFFF;
	s2 =	simm.s32 @!p0 $0x1C07  }
0x71: {  	[timem:s3], [sflag:s2] =	dma.local @!p0 [hbm:s0], s1  }
0x72: {  	s0 =	simm.s32 @!p0 $0x7  }
0x73: {  	_ =	swait.ge @!p0 [sflag:s0], s1  }
0x74: {  	s1 =	ssub.s32 @!p0 $0x0, s1;
	[sflag:s0] =	ssyncset.done @!p0 $0x0  }
0x75: {  	[sflag:s0] =	ssyncadd.s32 @!p0 s1  }
0x76: {  	[bflag:$0x3] =	sbarrier.arrive $0xFFFF  }
0x77: {  	_ =	shalt  }

</sc_bundles>
